<compile_context>
chip_gen: v7x
topology: tpu7x:2x2x1
jax: 0.10.2.dev20260603
libtpu: 0.0.44.dev20260713+nightly
codegen_flags: <defaults>
</compile_context>

<pallas_src>
import functools

import jax
import jax.numpy as jnp
from jax import lax
from jax.experimental import pallas as pl
from jax.experimental.pallas import tpu as pltpu
from jax.experimental.pallas import tpu_sc as plsc

_NC, _NS = 2, 16
_NW = _NC * _NS
_RING = 8


@functools.cache
def _make_kernel(bsz: int, h: int, d: int):
    rows_per_w = bsz // _NW
    assert rows_per_w % _RING == 0
    mesh = plsc.VectorSubcoreMesh(
        core_axis_name="c", subcore_axis_name="s",
        num_cores=_NC, num_subcores=_NS,
    )

    @functools.partial(
        pl.kernel,
        out_type=jax.ShapeDtypeStruct((bsz, h, d), jnp.float32),
        mesh=mesh,
        scratch_types=[
            pltpu.VMEM((rows_per_w, h), jnp.int32),
            pltpu.VMEM((_RING, h, d), jnp.float32),
        ] + [pltpu.SemaphoreType.DMA] * (2 * _RING),
        compiler_params=pltpu.CompilerParams(use_tc_tiling_on_sc=False),
    )
    def k(idx_hbm, table_hbm, out_hbm, idx_v, bufs, *sems):
        gsem, wsem = sems[:_RING], sems[_RING:]
        wid = lax.axis_index("s") * _NC + lax.axis_index("c")
        row0 = wid * rows_per_w
        pltpu.sync_copy(idx_hbm.at[pl.ds(row0, rows_per_w)], idx_v)

        for b in range(_RING):
            pltpu.async_copy(table_hbm.at[idx_v.at[b]], bufs.at[b], gsem[b])

        @pl.loop(0, rows_per_w, step=_RING)
        def _(j0):
            for b in range(_RING):
                j = j0 + b
                pltpu.make_async_copy(
                    table_hbm.at[idx_v.at[j]], bufs.at[b], gsem[b]).wait()
                pltpu.async_copy(
                    bufs.at[b], out_hbm.at[row0 + j], wsem[b])
                j2 = j + _RING

                @pl.when(j2 < rows_per_w)
                def _():
                    pltpu.make_async_copy(
                        bufs.at[b], out_hbm.at[row0 + j], wsem[b]).wait()
                    pltpu.async_copy(
                        table_hbm.at[idx_v.at[j2]], bufs.at[b], gsem[b])

        for b in range(_RING):
            j = rows_per_w - _RING + b
            pltpu.make_async_copy(
                bufs.at[b], out_hbm.at[row0 + j], wsem[b]).wait()

    return k


def kernel(indices, table):
    b, h = indices.shape
    v, d = table.shape
    table_p = jnp.pad(table, ((0, 0), (0, 128 - d))).reshape(v * 2, d)
    idx2 = indices.astype(jnp.int32) * 2
    return _make_kernel(b, h, d)(idx2, table_p)

# --- scband reference (transcript-rebuilt; emitter-appended) ---
"""Pipeline reference for scband-basic-module-89567247991685 (READ-ONLY COPY).

The authoritative reference and input builder live on the scoring server;
editing this copy changes nothing except your own understanding.
"""

import jax, jax.numpy as jnp
import numpy as np

VOCAB = 100000
EMBED_DIM = 64
BATCH = 4096
HIST = 50

def setup_inputs(seed: int = 0) -> dict:
    key = jax.random.key(seed)
    k_idx, k_tab = jax.random.split(key)
    indices = jax.random.randint(k_idx, (BATCH, HIST), 0, VOCAB, dtype=jnp.int64 if jax.config.jax_enable_x64 else jnp.int32)
    table = jax.random.normal(k_tab, (VOCAB, EMBED_DIM), dtype=jnp.float32)
    return {"indices": indices, "table": table}

def reference(indices, table):
    # nn.Embedding forward: gather rows of the embedding table
    return jnp.take(table, indices, axis=0)

if __name__ == "__main__":
    import jax
    _d = setup_inputs()
    print(jax.jit(kernel)(*tuple(_d.values())))

</pallas_src>

<mosaic_0001>
#map = affine_map<(d0, d1) -> (0, 0)>
#map1 = affine_map<(d0, d1) -> (0, 0, 0)>
module attributes {stable_mosaic.version = 14 : i64} {
  func.func @k(%arg0: i32, %arg1: i32, %arg2: memref<4096x50xi32, #tpu.memory_space<hbm>>, %arg3: memref<200000x64xf32, #tpu.memory_space<hbm>>, %arg4: memref<4096x50x64xf32, #tpu.memory_space<hbm>>, %arg5: memref<128x50xi32, #tpu.memory_space<vmem>>, %arg6: memref<8x50x64xf32, #tpu.memory_space<vmem>>, %arg7: memref<!tpu.dma_semaphore, #tpu.memory_space<semaphore_mem>>, %arg8: memref<!tpu.dma_semaphore, #tpu.memory_space<semaphore_mem>>, %arg9: memref<!tpu.dma_semaphore, #tpu.memory_space<semaphore_mem>>, %arg10: memref<!tpu.dma_semaphore, #tpu.memory_space<semaphore_mem>>, %arg11: memref<!tpu.dma_semaphore, #tpu.memory_space<semaphore_mem>>, %arg12: memref<!tpu.dma_semaphore, #tpu.memory_space<semaphore_mem>>, %arg13: memref<!tpu.dma_semaphore, #tpu.memory_space<semaphore_mem>>, %arg14: memref<!tpu.dma_semaphore, #tpu.memory_space<semaphore_mem>>, %arg15: memref<!tpu.dma_semaphore, #tpu.memory_space<semaphore_mem>>, %arg16: memref<!tpu.dma_semaphore, #tpu.memory_space<semaphore_mem>>, %arg17: memref<!tpu.dma_semaphore, #tpu.memory_space<semaphore_mem>>, %arg18: memref<!tpu.dma_semaphore, #tpu.memory_space<semaphore_mem>>, %arg19: memref<!tpu.dma_semaphore, #tpu.memory_space<semaphore_mem>>, %arg20: memref<!tpu.dma_semaphore, #tpu.memory_space<semaphore_mem>>, %arg21: memref<!tpu.dma_semaphore, #tpu.memory_space<semaphore_mem>>, %arg22: memref<!tpu.dma_semaphore, #tpu.memory_space<semaphore_mem>>) attributes {dimension_semantics = [#tpu.dimension_semantics<core_parallel>, #tpu.dimension_semantics<subcore_parallel>], iteration_bounds = array<i64: 2, 16>, scalar_prefetch = 0 : i64, scratch_operands = 18 : i64, tpu.core_type = #tpu.core_type<sc_vector_subcore>, window_params = [{transform_indices = #map}, {transform_indices = #map}, {transform_indices = #map1}]} {
    %mul3A = arith.constant 2 : i32
    %mul3A_0 = arith.muli %arg1, %mul3A : i32
    %add3A = arith.addi %mul3A_0, %arg0 : i32
    %mul3A_1 = arith.constant 128 : i32
    %mul3A_2 = arith.muli %add3A, %mul3A_1 : i32
    "tpu.region"() ({
      %run_scoped3A = tpu.sem_alloc : memref<!tpu.dma_semaphore, #tpu.memory_space<semaphore_mem>>
      %dma_start3A_253 = arith.constant 0 : i32
      %dma_start3A_254 = tpu.memref_slice %arg2[%mul3A_2, %dma_start3A_253] : memref<4096x50xi32, #tpu.memory_space<hbm>> -> memref<128x50xi32, #tpu.memory_space<hbm>>
      %dma_start3A_255 = arith.constant 0 : i32
      %dma_start3A_256 = tpu.memref_slice %arg2[%mul3A_2, %dma_start3A_255] : memref<4096x50xi32, #tpu.memory_space<hbm>> -> memref<128x50xi32, #tpu.memory_space<hbm>>
      tpu.enqueue_dma source(%dma_start3A_256 : memref<128x50xi32, #tpu.memory_space<hbm>>) target(%arg5 : memref<128x50xi32, #tpu.memory_space<vmem>>) target_semaphore(%run_scoped3A : memref<!tpu.dma_semaphore, #tpu.memory_space<semaphore_mem>>)
      %dma_wait3A_257 = arith.constant 0 : i32
      %dma_wait3A_258 = tpu.memref_slice %arg2[%mul3A_2, %dma_wait3A_257] : memref<4096x50xi32, #tpu.memory_space<hbm>> -> memref<128x50xi32, #tpu.memory_space<hbm>>
      %dma_wait3A_259 = arith.constant 0 : i32
      %dma_wait3A_260 = tpu.memref_slice %arg2[%mul3A_2, %dma_wait3A_259] : memref<4096x50xi32, #tpu.memory_space<hbm>> -> memref<128x50xi32, #tpu.memory_space<hbm>>
      tpu.wait_dma2 semaphore(%run_scoped3A : memref<!tpu.dma_semaphore, #tpu.memory_space<semaphore_mem>>) src(%dma_wait3A_260 : memref<128x50xi32, #tpu.memory_space<hbm>>) dst(%arg5 : memref<128x50xi32, #tpu.memory_space<vmem>>)
      tpu.yield
    }) : () -> ()
    %dma_start3A = arith.constant 0 : i32
    %dma_start3A_3 = arith.constant 0 : i32
    %dma_start3A_4 = arith.constant 0 : i32
    %dma_start3A_5 = arith.constant 0 : i32
    %dma_start3A_6 = tpu.memref_slice %arg6[%dma_start3A_3, %dma_start3A_4, %dma_start3A_5] : memref<8x50x64xf32, #tpu.memory_space<vmem>> -> memref<1x50x64xf32, #tpu.memory_space<vmem>>
    %dma_start3A_7 = tpu.memref_squeeze %dma_start3A_6 : memref<1x50x64xf32, #tpu.memory_space<vmem>> -> memref<50x64xf32, #tpu.memory_space<vmem>>
    %dma_start3A_8 = arith.constant 0 : i32
    %dma_start3A_9 = tpu.memref_slice %arg5[%dma_start3A, %dma_start3A_8] : memref<128x50xi32, #tpu.memory_space<vmem>> -> memref<1x50xi32, #tpu.memory_space<vmem>>
    %dma_start3A_10 = tpu.memref_squeeze %dma_start3A_9 : memref<1x50xi32, #tpu.memory_space<vmem>> -> memref<50xi32, #tpu.memory_space<vmem>>
    %dma_start3A_11 = arith.constant 0 : i32
    %dma_start3A_12 = arith.constant 0 : i32
    %dma_start3A_13 = tpu.memref_slice %arg3[%dma_start3A_11, %dma_start3A_12] : memref<200000x64xf32, #tpu.memory_space<hbm>> -> memref<200000x64xf32, #tpu.memory_space<hbm>>
    tpu.enqueue_indirect_dma source(%dma_start3A_13 : memref<200000x64xf32, #tpu.memory_space<hbm>>) target(%dma_start3A_7 : memref<50x64xf32, #tpu.memory_space<vmem>>) offsets(%dma_start3A_10 : memref<50xi32, #tpu.memory_space<vmem>>) semaphore(%arg7 : memref<!tpu.dma_semaphore, #tpu.memory_space<semaphore_mem>>)
    %dma_start3A_14 = arith.constant 1 : i32
    %dma_start3A_15 = arith.constant 1 : i32
    %dma_start3A_16 = arith.constant 0 : i32
    %dma_start3A_17 = arith.constant 0 : i32
    %dma_start3A_18 = tpu.memref_slice %arg6[%dma_start3A_15, %dma_start3A_16, %dma_start3A_17] : memref<8x50x64xf32, #tpu.memory_space<vmem>> -> memref<1x50x64xf32, #tpu.memory_space<vmem>>
    %dma_start3A_19 = tpu.memref_squeeze %dma_start3A_18 : memref<1x50x64xf32, #tpu.memory_space<vmem>> -> memref<50x64xf32, #tpu.memory_space<vmem>>
    %dma_start3A_20 = arith.constant 0 : i32
    %dma_start3A_21 = tpu.memref_slice %arg5[%dma_start3A_14, %dma_start3A_20] : memref<128x50xi32, #tpu.memory_space<vmem>> -> memref<1x50xi32, #tpu.memory_space<vmem>>
    %dma_start3A_22 = tpu.memref_squeeze %dma_start3A_21 : memref<1x50xi32, #tpu.memory_space<vmem>> -> memref<50xi32, #tpu.memory_space<vmem>>
    %dma_start3A_23 = arith.constant 0 : i32
    %dma_start3A_24 = arith.constant 0 : i32
    %dma_start3A_25 = tpu.memref_slice %arg3[%dma_start3A_23, %dma_start3A_24] : memref<200000x64xf32, #tpu.memory_space<hbm>> -> memref<200000x64xf32, #tpu.memory_space<hbm>>
    tpu.enqueue_indirect_dma source(%dma_start3A_25 : memref<200000x64xf32, #tpu.memory_space<hbm>>) target(%dma_start3A_19 : memref<50x64xf32, #tpu.memory_space<vmem>>) offsets(%dma_start3A_22 : memref<50xi32, #tpu.memory_space<vmem>>) semaphore(%arg8 : memref<!tpu.dma_semaphore, #tpu.memory_space<semaphore_mem>>)
    %dma_start3A_26 = arith.constant 2 : i32
    %dma_start3A_27 = arith.constant 2 : i32
    %dma_start3A_28 = arith.constant 0 : i32
    %dma_start3A_29 = arith.constant 0 : i32
    %dma_start3A_30 = tpu.memref_slice %arg6[%dma_start3A_27, %dma_start3A_28, %dma_start3A_29] : memref<8x50x64xf32, #tpu.memory_space<vmem>> -> memref<1x50x64xf32, #tpu.memory_space<vmem>>
    %dma_start3A_31 = tpu.memref_squeeze %dma_start3A_30 : memref<1x50x64xf32, #tpu.memory_space<vmem>> -> memref<50x64xf32, #tpu.memory_space<vmem>>
    %dma_start3A_32 = arith.constant 0 : i32
    %dma_start3A_33 = tpu.memref_slice %arg5[%dma_start3A_26, %dma_start3A_32] : memref<128x50xi32, #tpu.memory_space<vmem>> -> memref<1x50xi32, #tpu.memory_space<vmem>>
    %dma_start3A_34 = tpu.memref_squeeze %dma_start3A_33 : memref<1x50xi32, #tpu.memory_space<vmem>> -> memref<50xi32, #tpu.memory_space<vmem>>
    %dma_start3A_35 = arith.constant 0 : i32
    %dma_start3A_36 = arith.constant 0 : i32
    %dma_start3A_37 = tpu.memref_slice %arg3[%dma_start3A_35, %dma_start3A_36] : memref<200000x64xf32, #tpu.memory_space<hbm>> -> memref<200000x64xf32, #tpu.memory_space<hbm>>
    tpu.enqueue_indirect_dma source(%dma_start3A_37 : memref<200000x64xf32, #tpu.memory_space<hbm>>) target(%dma_start3A_31 : memref<50x64xf32, #tpu.memory_space<vmem>>) offsets(%dma_start3A_34 : memref<50xi32, #tpu.memory_space<vmem>>) semaphore(%arg9 : memref<!tpu.dma_semaphore, #tpu.memory_space<semaphore_mem>>)
    %dma_start3A_38 = arith.constant 3 : i32
    %dma_start3A_39 = arith.constant 3 : i32
    %dma_start3A_40 = arith.constant 0 : i32
    %dma_start3A_41 = arith.constant 0 : i32
    %dma_start3A_42 = tpu.memref_slice %arg6[%dma_start3A_39, %dma_start3A_40, %dma_start3A_41] : memref<8x50x64xf32, #tpu.memory_space<vmem>> -> memref<1x50x64xf32, #tpu.memory_space<vmem>>
    %dma_start3A_43 = tpu.memref_squeeze %dma_start3A_42 : memref<1x50x64xf32, #tpu.memory_space<vmem>> -> memref<50x64xf32, #tpu.memory_space<vmem>>
    %dma_start3A_44 = arith.constant 0 : i32
    %dma_start3A_45 = tpu.memref_slice %arg5[%dma_start3A_38, %dma_start3A_44] : memref<128x50xi32, #tpu.memory_space<vmem>> -> memref<1x50xi32, #tpu.memory_space<vmem>>
    %dma_start3A_46 = tpu.memref_squeeze %dma_start3A_45 : memref<1x50xi32, #tpu.memory_space<vmem>> -> memref<50xi32, #tpu.memory_space<vmem>>
    %dma_start3A_47 = arith.constant 0 : i32
    %dma_start3A_48 = arith.constant 0 : i32
    %dma_start3A_49 = tpu.memref_slice %arg3[%dma_start3A_47, %dma_start3A_48] : memref<200000x64xf32, #tpu.memory_space<hbm>> -> memref<200000x64xf32, #tpu.memory_space<hbm>>
    tpu.enqueue_indirect_dma source(%dma_start3A_49 : memref<200000x64xf32, #tpu.memory_space<hbm>>) target(%dma_start3A_43 : memref<50x64xf32, #tpu.memory_space<vmem>>) offsets(%dma_start3A_46 : memref<50xi32, #tpu.memory_space<vmem>>) semaphore(%arg10 : memref<!tpu.dma_semaphore, #tpu.memory_space<semaphore_mem>>)
    %dma_start3A_50 = arith.constant 4 : i32
    %dma_start3A_51 = arith.constant 4 : i32
    %dma_start3A_52 = arith.constant 0 : i32
    %dma_start3A_53 = arith.constant 0 : i32
    %dma_start3A_54 = tpu.memref_slice %arg6[%dma_start3A_51, %dma_start3A_52, %dma_start3A_53] : memref<8x50x64xf32, #tpu.memory_space<vmem>> -> memref<1x50x64xf32, #tpu.memory_space<vmem>>
    %dma_start3A_55 = tpu.memref_squeeze %dma_start3A_54 : memref<1x50x64xf32, #tpu.memory_space<vmem>> -> memref<50x64xf32, #tpu.memory_space<vmem>>
    %dma_start3A_56 = arith.constant 0 : i32
    %dma_start3A_57 = tpu.memref_slice %arg5[%dma_start3A_50, %dma_start3A_56] : memref<128x50xi32, #tpu.memory_space<vmem>> -> memref<1x50xi32, #tpu.memory_space<vmem>>
    %dma_start3A_58 = tpu.memref_squeeze %dma_start3A_57 : memref<1x50xi32, #tpu.memory_space<vmem>> -> memref<50xi32, #tpu.memory_space<vmem>>
    %dma_start3A_59 = arith.constant 0 : i32
    %dma_start3A_60 = arith.constant 0 : i32
    %dma_start3A_61 = tpu.memref_slice %arg3[%dma_start3A_59, %dma_start3A_60] : memref<200000x64xf32, #tpu.memory_space<hbm>> -> memref<200000x64xf32, #tpu.memory_space<hbm>>
    tpu.enqueue_indirect_dma source(%dma_start3A_61 : memref<200000x64xf32, #tpu.memory_space<hbm>>) target(%dma_start3A_55 : memref<50x64xf32, #tpu.memory_space<vmem>>) offsets(%dma_start3A_58 : memref<50xi32, #tpu.memory_space<vmem>>) semaphore(%arg11 : memref<!tpu.dma_semaphore, #tpu.memory_space<semaphore_mem>>)
    %dma_start3A_62 = arith.constant 5 : i32
    %dma_start3A_63 = arith.constant 5 : i32
    %dma_start3A_64 = arith.constant 0 : i32
    %dma_start3A_65 = arith.constant 0 : i32
    %dma_start3A_66 = tpu.memref_slice %arg6[%dma_start3A_63, %dma_start3A_64, %dma_start3A_65] : memref<8x50x64xf32, #tpu.memory_space<vmem>> -> memref<1x50x64xf32, #tpu.memory_space<vmem>>
    %dma_start3A_67 = tpu.memref_squeeze %dma_start3A_66 : memref<1x50x64xf32, #tpu.memory_space<vmem>> -> memref<50x64xf32, #tpu.memory_space<vmem>>
    %dma_start3A_68 = arith.constant 0 : i32
    %dma_start3A_69 = tpu.memref_slice %arg5[%dma_start3A_62, %dma_start3A_68] : memref<128x50xi32, #tpu.memory_space<vmem>> -> memref<1x50xi32, #tpu.memory_space<vmem>>
    %dma_start3A_70 = tpu.memref_squeeze %dma_start3A_69 : memref<1x50xi32, #tpu.memory_space<vmem>> -> memref<50xi32, #tpu.memory_space<vmem>>
    %dma_start3A_71 = arith.constant 0 : i32
    %dma_start3A_72 = arith.constant 0 : i32
    %dma_start3A_73 = tpu.memref_slice %arg3[%dma_start3A_71, %dma_start3A_72] : memref<200000x64xf32, #tpu.memory_space<hbm>> -> memref<200000x64xf32, #tpu.memory_space<hbm>>
    tpu.enqueue_indirect_dma source(%dma_start3A_73 : memref<200000x64xf32, #tpu.memory_space<hbm>>) target(%dma_start3A_67 : memref<50x64xf32, #tpu.memory_space<vmem>>) offsets(%dma_start3A_70 : memref<50xi32, #tpu.memory_space<vmem>>) semaphore(%arg12 : memref<!tpu.dma_semaphore, #tpu.memory_space<semaphore_mem>>)
    %dma_start3A_74 = arith.constant 6 : i32
    %dma_start3A_75 = arith.constant 6 : i32
    %dma_start3A_76 = arith.constant 0 : i32
    %dma_start3A_77 = arith.constant 0 : i32
    %dma_start3A_78 = tpu.memref_slice %arg6[%dma_start3A_75, %dma_start3A_76, %dma_start3A_77] : memref<8x50x64xf32, #tpu.memory_space<vmem>> -> memref<1x50x64xf32, #tpu.memory_space<vmem>>
    %dma_start3A_79 = tpu.memref_squeeze %dma_start3A_78 : memref<1x50x64xf32, #tpu.memory_space<vmem>> -> memref<50x64xf32, #tpu.memory_space<vmem>>
    %dma_start3A_80 = arith.constant 0 : i32
    %dma_start3A_81 = tpu.memref_slice %arg5[%dma_start3A_74, %dma_start3A_80] : memref<128x50xi32, #tpu.memory_space<vmem>> -> memref<1x50xi32, #tpu.memory_space<vmem>>
    %dma_start3A_82 = tpu.memref_squeeze %dma_start3A_81 : memref<1x50xi32, #tpu.memory_space<vmem>> -> memref<50xi32, #tpu.memory_space<vmem>>
    %dma_start3A_83 = arith.constant 0 : i32
    %dma_start3A_84 = arith.constant 0 : i32
    %dma_start3A_85 = tpu.memref_slice %arg3[%dma_start3A_83, %dma_start3A_84] : memref<200000x64xf32, #tpu.memory_space<hbm>> -> memref<200000x64xf32, #tpu.memory_space<hbm>>
    tpu.enqueue_indirect_dma source(%dma_start3A_85 : memref<200000x64xf32, #tpu.memory_space<hbm>>) target(%dma_start3A_79 : memref<50x64xf32, #tpu.memory_space<vmem>>) offsets(%dma_start3A_82 : memref<50xi32, #tpu.memory_space<vmem>>) semaphore(%arg13 : memref<!tpu.dma_semaphore, #tpu.memory_space<semaphore_mem>>)
    %dma_start3A_86 = arith.constant 7 : i32
    %dma_start3A_87 = arith.constant 7 : i32
    %dma_start3A_88 = arith.constant 0 : i32
    %dma_start3A_89 = arith.constant 0 : i32
    %dma_start3A_90 = tpu.memref_slice %arg6[%dma_start3A_87, %dma_start3A_88, %dma_start3A_89] : memref<8x50x64xf32, #tpu.memory_space<vmem>> -> memref<1x50x64xf32, #tpu.memory_space<vmem>>
    %dma_start3A_91 = tpu.memref_squeeze %dma_start3A_90 : memref<1x50x64xf32, #tpu.memory_space<vmem>> -> memref<50x64xf32, #tpu.memory_space<vmem>>
    %dma_start3A_92 = arith.constant 0 : i32
    %dma_start3A_93 = tpu.memref_slice %arg5[%dma_start3A_86, %dma_start3A_92] : memref<128x50xi32, #tpu.memory_space<vmem>> -> memref<1x50xi32, #tpu.memory_space<vmem>>
    %dma_start3A_94 = tpu.memref_squeeze %dma_start3A_93 : memref<1x50xi32, #tpu.memory_space<vmem>> -> memref<50xi32, #tpu.memory_space<vmem>>
    %dma_start3A_95 = arith.constant 0 : i32
    %dma_start3A_96 = arith.constant 0 : i32
    %dma_start3A_97 = tpu.memref_slice %arg3[%dma_start3A_95, %dma_start3A_96] : memref<200000x64xf32, #tpu.memory_space<hbm>> -> memref<200000x64xf32, #tpu.memory_space<hbm>>
    tpu.enqueue_indirect_dma source(%dma_start3A_97 : memref<200000x64xf32, #tpu.memory_space<hbm>>) target(%dma_start3A_91 : memref<50x64xf32, #tpu.memory_space<vmem>>) offsets(%dma_start3A_94 : memref<50xi32, #tpu.memory_space<vmem>>) semaphore(%arg14 : memref<!tpu.dma_semaphore, #tpu.memory_space<semaphore_mem>>)
    %scan3A = arith.constant 0 : i32
    %scan3A_98 = arith.constant 16 : i32
    %scan3A_99 = arith.addi %scan3A, %scan3A_98 : i32
    %scan3A_100 = arith.constant 1 : i32
    scf.for %scan3A_253 = %scan3A to %scan3A_99 step %scan3A_100  : i32 {
      %mul3A_254 = arith.constant 8 : i32
      %mul3A_255 = arith.muli %scan3A_253, %mul3A_254 : i32
      %add3A_256 = arith.constant 0 : i32
      %add3A_257 = arith.addi %add3A_256, %mul3A_255 : i32
      %add3A_258 = arith.constant 0 : i32
      %add3A_259 = arith.addi %add3A_257, %add3A_258 : i32
      %dma_wait3A_260 = arith.constant 0 : i32
      %dma_wait3A_261 = arith.constant 0 : i32
      %dma_wait3A_262 = arith.constant 0 : i32
      %dma_wait3A_263 = tpu.memref_slice %arg6[%dma_wait3A_260, %dma_wait3A_261, %dma_wait3A_262] : memref<8x50x64xf32, #tpu.memory_space<vmem>> -> memref<1x50x64xf32, #tpu.memory_space<vmem>>
      %dma_wait3A_264 = tpu.memref_squeeze %dma_wait3A_263 : memref<1x50x64xf32, #tpu.memory_space<vmem>> -> memref<50x64xf32, #tpu.memory_space<vmem>>
      %dma_wait3A_265 = arith.constant 0 : i32
      %dma_wait3A_266 = tpu.memref_slice %arg5[%add3A_259, %dma_wait3A_265] : memref<128x50xi32, #tpu.memory_space<vmem>> -> memref<1x50xi32, #tpu.memory_space<vmem>>
      %dma_wait3A_267 = tpu.memref_squeeze %dma_wait3A_266 : memref<1x50xi32, #tpu.memory_space<vmem>> -> memref<50xi32, #tpu.memory_space<vmem>>
      %dma_wait3A_268 = arith.constant 0 : i32
      %dma_wait3A_269 = arith.constant 0 : i32
      %dma_wait3A_270 = tpu.memref_slice %arg3[%dma_wait3A_268, %dma_wait3A_269] : memref<200000x64xf32, #tpu.memory_space<hbm>> -> memref<200000x64xf32, #tpu.memory_space<hbm>>
      tpu.wait_indirect_dma semaphore(%arg7 : memref<!tpu.dma_semaphore, #tpu.memory_space<semaphore_mem>>) src(%dma_wait3A_270 : memref<200000x64xf32, #tpu.memory_space<hbm>>) dst(%dma_wait3A_264 : memref<50x64xf32, #tpu.memory_space<vmem>>)
      %add3A_271 = arith.addi %mul3A_2, %add3A_259 : i32
      %dma_start3A_272 = arith.constant 0 : i32
      %dma_start3A_273 = arith.constant 0 : i32
      %dma_start3A_274 = arith.constant 0 : i32
      %dma_start3A_275 = tpu.memref_slice %arg6[%dma_start3A_272, %dma_start3A_273, %dma_start3A_274] : memref<8x50x64xf32, #tpu.memory_space<vmem>> -> memref<1x50x64xf32, #tpu.memory_space<vmem>>
      %dma_start3A_276 = tpu.memref_squeeze %dma_start3A_275 : memref<1x50x64xf32, #tpu.memory_space<vmem>> -> memref<50x64xf32, #tpu.memory_space<vmem>>
      %dma_start3A_277 = arith.constant 0 : i32
      %dma_start3A_278 = arith.constant 0 : i32
      %dma_start3A_279 = tpu.memref_slice %arg4[%add3A_271, %dma_start3A_277, %dma_start3A_278] : memref<4096x50x64xf32, #tpu.memory_space<hbm>> -> memref<1x50x64xf32, #tpu.memory_space<hbm>>
      %dma_start3A_280 = tpu.memref_squeeze %dma_start3A_279 : memref<1x50x64xf32, #tpu.memory_space<hbm>> -> memref<50x64xf32, #tpu.memory_space<hbm>>
      %dma_start3A_281 = arith.constant 0 : i32
      %dma_start3A_282 = arith.constant 0 : i32
      %dma_start3A_283 = tpu.memref_slice %arg4[%add3A_271, %dma_start3A_281, %dma_start3A_282] : memref<4096x50x64xf32, #tpu.memory_space<hbm>> -> memref<1x50x64xf32, #tpu.memory_space<hbm>>
      %dma_start3A_284 = tpu.memref_squeeze %dma_start3A_283 : memref<1x50x64xf32, #tpu.memory_space<hbm>> -> memref<50x64xf32, #tpu.memory_space<hbm>>
      %dma_start3A_285 = arith.constant 0 : i32
      %dma_start3A_286 = arith.constant 0 : i32
      %dma_start3A_287 = tpu.memref_slice %arg6[%dma_start3A_272, %dma_start3A_285, %dma_start3A_286] : memref<8x50x64xf32, #tpu.memory_space<vmem>> -> memref<1x50x64xf32, #tpu.memory_space<vmem>>
      %dma_start3A_288 = tpu.memref_squeeze %dma_start3A_287 : memref<1x50x64xf32, #tpu.memory_space<vmem>> -> memref<50x64xf32, #tpu.memory_space<vmem>>
      tpu.enqueue_dma source(%dma_start3A_288 : memref<50x64xf32, #tpu.memory_space<vmem>>) target(%dma_start3A_284 : memref<50x64xf32, #tpu.memory_space<hbm>>) target_semaphore(%arg15 : memref<!tpu.dma_semaphore, #tpu.memory_space<semaphore_mem>>)
      %add3A_289 = arith.constant 8 : i32
      %add3A_290 = arith.addi %add3A_259, %add3A_289 : i32
      %lt3A = arith.constant 128 : i32
      %lt3A_291 = arith.cmpi slt, %add3A_290, %lt3A : i32
      %convert_element_type3A = arith.extui %lt3A_291 : i1 to i32
      %cond3A = arith.constant 0 : i32
      %cond3A_292 = arith.cmpi ne, %convert_element_type3A, %cond3A : i32
      scf.if %cond3A_292 {
        %add3A_559 = arith.addi %mul3A_2, %add3A_259 : i32
        %dma_wait3A_560 = arith.constant 0 : i32
        %dma_wait3A_561 = arith.constant 0 : i32
        %dma_wait3A_562 = arith.constant 0 : i32
        %dma_wait3A_563 = tpu.memref_slice %arg6[%dma_wait3A_560, %dma_wait3A_561, %dma_wait3A_562] : memref<8x50x64xf32, #tpu.memory_space<vmem>> -> memref<1x50x64xf32, #tpu.memory_space<vmem>>
        %dma_wait3A_564 = tpu.memref_squeeze %dma_wait3A_563 : memref<1x50x64xf32, #tpu.memory_space<vmem>> -> memref<50x64xf32, #tpu.memory_space<vmem>>
        %dma_wait3A_565 = arith.constant 0 : i32
        %dma_wait3A_566 = arith.constant 0 : i32
        %dma_wait3A_567 = tpu.memref_slice %arg4[%add3A_559, %dma_wait3A_565, %dma_wait3A_566] : memref<4096x50x64xf32, #tpu.memory_space<hbm>> -> memref<1x50x64xf32, #tpu.memory_space<hbm>>
        %dma_wait3A_568 = tpu.memref_squeeze %dma_wait3A_567 : memref<1x50x64xf32, #tpu.memory_space<hbm>> -> memref<50x64xf32, #tpu.memory_space<hbm>>
        %dma_wait3A_569 = arith.constant 0 : i32
        %dma_wait3A_570 = arith.constant 0 : i32
        %dma_wait3A_571 = tpu.memref_slice %arg4[%add3A_559, %dma_wait3A_569, %dma_wait3A_570] : memref<4096x50x64xf32, #tpu.memory_space<hbm>> -> memref<1x50x64xf32, #tpu.memory_space<hbm>>
        %dma_wait3A_572 = tpu.memref_squeeze %dma_wait3A_571 : memref<1x50x64xf32, #tpu.memory_space<hbm>> -> memref<50x64xf32, #tpu.memory_space<hbm>>
        %dma_wait3A_573 = arith.constant 0 : i32
        %dma_wait3A_574 = arith.constant 0 : i32
        %dma_wait3A_575 = tpu.memref_slice %arg6[%dma_wait3A_560, %dma_wait3A_573, %dma_wait3A_574] : memref<8x50x64xf32, #tpu.memory_space<vmem>> -> memref<1x50x64xf32, #tpu.memory_space<vmem>>
        %dma_wait3A_576 = tpu.memref_squeeze %dma_wait3A_575 : memref<1x50x64xf32, #tpu.memory_space<vmem>> -> memref<50x64xf32, #tpu.memory_space<vmem>>
        tpu.wait_dma2 semaphore(%arg15 : memref<!tpu.dma_semaphore, #tpu.memory_space<semaphore_mem>>) src(%dma_wait3A_576 : memref<50x64xf32, #tpu.memory_space<vmem>>) dst(%dma_wait3A_572 : memref<50x64xf32, #tpu.memory_space<hbm>>)
        %dma_start3A_577 = arith.constant 0 : i32
        %dma_start3A_578 = arith.constant 0 : i32
        %dma_start3A_579 = arith.constant 0 : i32
        %dma_start3A_580 = tpu.memref_slice %arg6[%dma_start3A_577, %dma_start3A_578, %dma_start3A_579] : memref<8x50x64xf32, #tpu.memory_space<vmem>> -> memref<1x50x64xf32, #tpu.memory_space<vmem>>
        %dma_start3A_581 = tpu.memref_squeeze %dma_start3A_580 : memref<1x50x64xf32, #tpu.memory_space<vmem>> -> memref<50x64xf32, #tpu.memory_space<vmem>>
        %dma_start3A_582 = arith.constant 0 : i32
        %dma_start3A_583 = tpu.memref_slice %arg5[%add3A_290, %dma_start3A_582] : memref<128x50xi32, #tpu.memory_space<vmem>> -> memref<1x50xi32, #tpu.memory_space<vmem>>
        %dma_start3A_584 = tpu.memref_squeeze %dma_start3A_583 : memref<1x50xi32, #tpu.memory_space<vmem>> -> memref<50xi32, #tpu.memory_space<vmem>>
        %dma_start3A_585 = arith.constant 0 : i32
        %dma_start3A_586 = arith.constant 0 : i32
        %dma_start3A_587 = tpu.memref_slice %arg3[%dma_start3A_585, %dma_start3A_586] : memref<200000x64xf32, #tpu.memory_space<hbm>> -> memref<200000x64xf32, #tpu.memory_space<hbm>>
        tpu.enqueue_indirect_dma source(%dma_start3A_587 : memref<200000x64xf32, #tpu.memory_space<hbm>>) target(%dma_start3A_581 : memref<50x64xf32, #tpu.memory_space<vmem>>) offsets(%dma_start3A_584 : memref<50xi32, #tpu.memory_space<vmem>>) semaphore(%arg7 : memref<!tpu.dma_semaphore, #tpu.memory_space<semaphore_mem>>)
      } else {
      }
      %add3A_293 = arith.constant 1 : i32
      %add3A_294 = arith.addi %add3A_257, %add3A_293 : i32
      %dma_wait3A_295 = arith.constant 1 : i32
      %dma_wait3A_296 = arith.constant 0 : i32
      %dma_wait3A_297 = arith.constant 0 : i32
      %dma_wait3A_298 = tpu.memref_slice %arg6[%dma_wait3A_295, %dma_wait3A_296, %dma_wait3A_297] : memref<8x50x64xf32, #tpu.memory_space<vmem>> -> memref<1x50x64xf32, #tpu.memory_space<vmem>>
      %dma_wait3A_299 = tpu.memref_squeeze %dma_wait3A_298 : memref<1x50x64xf32, #tpu.memory_space<vmem>> -> memref<50x64xf32, #tpu.memory_space<vmem>>
      %dma_wait3A_300 = arith.constant 0 : i32
      %dma_wait3A_301 = tpu.memref_slice %arg5[%add3A_294, %dma_wait3A_300] : memref<128x50xi32, #tpu.memory_space<vmem>> -> memref<1x50xi32, #tpu.memory_space<vmem>>
      %dma_wait3A_302 = tpu.memref_squeeze %dma_wait3A_301 : memref<1x50xi32, #tpu.memory_space<vmem>> -> memref<50xi32, #tpu.memory_space<vmem>>
      %dma_wait3A_303 = arith.constant 0 : i32
      %dma_wait3A_304 = arith.constant 0 : i32
      %dma_wait3A_305 = tpu.memref_slice %arg3[%dma_wait3A_303, %dma_wait3A_304] : memref<200000x64xf32, #tpu.memory_space<hbm>> -> memref<200000x64xf32, #tpu.memory_space<hbm>>
      tpu.wait_indirect_dma semaphore(%arg8 : memref<!tpu.dma_semaphore, #tpu.memory_space<semaphore_mem>>) src(%dma_wait3A_305 : memref<200000x64xf32, #tpu.memory_space<hbm>>) dst(%dma_wait3A_299 : memref<50x64xf32, #tpu.memory_space<vmem>>)
      %add3A_306 = arith.addi %mul3A_2, %add3A_294 : i32
      %dma_start3A_307 = arith.constant 1 : i32
      %dma_start3A_308 = arith.constant 0 : i32
      %dma_start3A_309 = arith.constant 0 : i32
      %dma_start3A_310 = tpu.memref_slice %arg6[%dma_start3A_307, %dma_start3A_308, %dma_start3A_309] : memref<8x50x64xf32, #tpu.memory_space<vmem>> -> memref<1x50x64xf32, #tpu.memory_space<vmem>>
      %dma_start3A_311 = tpu.memref_squeeze %dma_start3A_310 : memref<1x50x64xf32, #tpu.memory_space<vmem>> -> memref<50x64xf32, #tpu.memory_space<vmem>>
      %dma_start3A_312 = arith.constant 0 : i32
      %dma_start3A_313 = arith.constant 0 : i32
      %dma_start3A_314 = tpu.memref_slice %arg4[%add3A_306, %dma_start3A_312, %dma_start3A_313] : memref<4096x50x64xf32, #tpu.memory_space<hbm>> -> memref<1x50x64xf32, #tpu.memory_space<hbm>>
      %dma_start3A_315 = tpu.memref_squeeze %dma_start3A_314 : memref<1x50x64xf32, #tpu.memory_space<hbm>> -> memref<50x64xf32, #tpu.memory_space<hbm>>
      %dma_start3A_316 = arith.constant 0 : i32
      %dma_start3A_317 = arith.constant 0 : i32
      %dma_start3A_318 = tpu.memref_slice %arg4[%add3A_306, %dma_start3A_316, %dma_start3A_317] : memref<4096x50x64xf32, #tpu.memory_space<hbm>> -> memref<1x50x64xf32, #tpu.memory_space<hbm>>
      %dma_start3A_319 = tpu.memref_squeeze %dma_start3A_318 : memref<1x50x64xf32, #tpu.memory_space<hbm>> -> memref<50x64xf32, #tpu.memory_space<hbm>>
      %dma_start3A_320 = arith.constant 0 : i32
      %dma_start3A_321 = arith.constant 0 : i32
      %dma_start3A_322 = tpu.memref_slice %arg6[%dma_start3A_307, %dma_start3A_320, %dma_start3A_321] : memref<8x50x64xf32, #tpu.memory_space<vmem>> -> memref<1x50x64xf32, #tpu.memory_space<vmem>>
      %dma_start3A_323 = tpu.memref_squeeze %dma_start3A_322 : memref<1x50x64xf32, #tpu.memory_space<vmem>> -> memref<50x64xf32, #tpu.memory_space<vmem>>
      tpu.enqueue_dma source(%dma_start3A_323 : memref<50x64xf32, #tpu.memory_space<vmem>>) target(%dma_start3A_319 : memref<50x64xf32, #tpu.memory_space<hbm>>) target_semaphore(%arg16 : memref<!tpu.dma_semaphore, #tpu.memory_space<semaphore_mem>>)
      %add3A_324 = arith.constant 8 : i32
      %add3A_325 = arith.addi %add3A_294, %add3A_324 : i32
      %lt3A_326 = arith.constant 128 : i32
      %lt3A_327 = arith.cmpi slt, %add3A_325, %lt3A_326 : i32
      %convert_element_type3A_328 = arith.extui %lt3A_327 : i1 to i32
      %cond3A_329 = arith.constant 0 : i32
      %cond3A_330 = arith.cmpi ne, %convert_element_type3A_328, %cond3A_329 : i32
      scf.if %cond3A_330 {
        %add3A_559 = arith.addi %mul3A_2, %add3A_294 : i32
        %dma_wait3A_560 = arith.constant 1 : i32
        %dma_wait3A_561 = arith.constant 0 : i32
        %dma_wait3A_562 = arith.constant 0 : i32
        %dma_wait3A_563 = tpu.memref_slice %arg6[%dma_wait3A_560, %dma_wait3A_561, %dma_wait3A_562] : memref<8x50x64xf32, #tpu.memory_space<vmem>> -> memref<1x50x64xf32, #tpu.memory_space<vmem>>
        %dma_wait3A_564 = tpu.memref_squeeze %dma_wait3A_563 : memref<1x50x64xf32, #tpu.memory_space<vmem>> -> memref<50x64xf32, #tpu.memory_space<vmem>>
        %dma_wait3A_565 = arith.constant 0 : i32
        %dma_wait3A_566 = arith.constant 0 : i32
        %dma_wait3A_567 = tpu.memref_slice %arg4[%add3A_559, %dma_wait3A_565, %dma_wait3A_566] : memref<4096x50x64xf32, #tpu.memory_space<hbm>> -> memref<1x50x64xf32, #tpu.memory_space<hbm>>
        %dma_wait3A_568 = tpu.memref_squeeze %dma_wait3A_567 : memref<1x50x64xf32, #tpu.memory_space<hbm>> -> memref<50x64xf32, #tpu.memory_space<hbm>>
        %dma_wait3A_569 = arith.constant 0 : i32
        %dma_wait3A_570 = arith.constant 0 : i32
        %dma_wait3A_571 = tpu.memref_slice %arg4[%add3A_559, %dma_wait3A_569, %dma_wait3A_570] : memref<4096x50x64xf32, #tpu.memory_space<hbm>> -> memref<1x50x64xf32, #tpu.memory_space<hbm>>
        %dma_wait3A_572 = tpu.memref_squeeze %dma_wait3A_571 : memref<1x50x64xf32, #tpu.memory_space<hbm>> -> memref<50x64xf32, #tpu.memory_space<hbm>>
        %dma_wait3A_573 = arith.constant 0 : i32
        %dma_wait3A_574 = arith.constant 0 : i32
        %dma_wait3A_575 = tpu.memref_slice %arg6[%dma_wait3A_560, %dma_wait3A_573, %dma_wait3A_574] : memref<8x50x64xf32, #tpu.memory_space<vmem>> -> memref<1x50x64xf32, #tpu.memory_space<vmem>>
        %dma_wait3A_576 = tpu.memref_squeeze %dma_wait3A_575 : memref<1x50x64xf32, #tpu.memory_space<vmem>> -> memref<50x64xf32, #tpu.memory_space<vmem>>
        tpu.wait_dma2 semaphore(%arg16 : memref<!tpu.dma_semaphore, #tpu.memory_space<semaphore_mem>>) src(%dma_wait3A_576 : memref<50x64xf32, #tpu.memory_space<vmem>>) dst(%dma_wait3A_572 : memref<50x64xf32, #tpu.memory_space<hbm>>)
        %dma_start3A_577 = arith.constant 1 : i32
        %dma_start3A_578 = arith.constant 0 : i32
        %dma_start3A_579 = arith.constant 0 : i32
        %dma_start3A_580 = tpu.memref_slice %arg6[%dma_start3A_577, %dma_start3A_578, %dma_start3A_579] : memref<8x50x64xf32, #tpu.memory_space<vmem>> -> memref<1x50x64xf32, #tpu.memory_space<vmem>>
        %dma_start3A_581 = tpu.memref_squeeze %dma_start3A_580 : memref<1x50x64xf32, #tpu.memory_space<vmem>> -> memref<50x64xf32, #tpu.memory_space<vmem>>
        %dma_start3A_582 = arith.constant 0 : i32
        %dma_start3A_583 = tpu.memref_slice %arg5[%add3A_325, %dma_start3A_582] : memref<128x50xi32, #tpu.memory_space<vmem>> -> memref<1x50xi32, #tpu.memory_space<vmem>>
        %dma_start3A_584 = tpu.memref_squeeze %dma_start3A_583 : memref<1x50xi32, #tpu.memory_space<vmem>> -> memref<50xi32, #tpu.memory_space<vmem>>
        %dma_start3A_585 = arith.constant 0 : i32
        %dma_start3A_586 = arith.constant 0 : i32
        %dma_start3A_587 = tpu.memref_slice %arg3[%dma_start3A_585, %dma_start3A_586] : memref<200000x64xf32, #tpu.memory_space<hbm>> -> memref<200000x64xf32, #tpu.memory_space<hbm>>
        tpu.enqueue_indirect_dma source(%dma_start3A_587 : memref<200000x64xf32, #tpu.memory_space<hbm>>) target(%dma_start3A_581 : memref<50x64xf32, #tpu.memory_space<vmem>>) offsets(%dma_start3A_584 : memref<50xi32, #tpu.memory_space<vmem>>) semaphore(%arg8 : memref<!tpu.dma_semaphore, #tpu.memory_space<semaphore_mem>>)
      } else {
      }
      %add3A_331 = arith.constant 2 : i32
      %add3A_332 = arith.addi %add3A_257, %add3A_331 : i32
      %dma_wait3A_333 = arith.constant 2 : i32
      %dma_wait3A_334 = arith.constant 0 : i32
      %dma_wait3A_335 = arith.constant 0 : i32
      %dma_wait3A_336 = tpu.memref_slice %arg6[%dma_wait3A_333, %dma_wait3A_334, %dma_wait3A_335] : memref<8x50x64xf32, #tpu.memory_space<vmem>> -> memref<1x50x64xf32, #tpu.memory_space<vmem>>
      %dma_wait3A_337 = tpu.memref_squeeze %dma_wait3A_336 : memref<1x50x64xf32, #tpu.memory_space<vmem>> -> memref<50x64xf32, #tpu.memory_space<vmem>>
      %dma_wait3A_338 = arith.constant 0 : i32
      %dma_wait3A_339 = tpu.memref_slice %arg5[%add3A_332, %dma_wait3A_338] : memref<128x50xi32, #tpu.memory_space<vmem>> -> memref<1x50xi32, #tpu.memory_space<vmem>>
      %dma_wait3A_340 = tpu.memref_squeeze %dma_wait3A_339 : memref<1x50xi32, #tpu.memory_space<vmem>> -> memref<50xi32, #tpu.memory_space<vmem>>
      %dma_wait3A_341 = arith.constant 0 : i32
      %dma_wait3A_342 = arith.constant 0 : i32
      %dma_wait3A_343 = tpu.memref_slice %arg3[%dma_wait3A_341, %dma_wait3A_342] : memref<200000x64xf32, #tpu.memory_space<hbm>> -> memref<200000x64xf32, #tpu.memory_space<hbm>>
      tpu.wait_indirect_dma semaphore(%arg9 : memref<!tpu.dma_semaphore, #tpu.memory_space<semaphore_mem>>) src(%dma_wait3A_343 : memref<200000x64xf32, #tpu.memory_space<hbm>>) dst(%dma_wait3A_337 : memref<50x64xf32, #tpu.memory_space<vmem>>)
      %add3A_344 = arith.addi %mul3A_2, %add3A_332 : i32
      %dma_start3A_345 = arith.constant 2 : i32
      %dma_start3A_346 = arith.constant 0 : i32
      %dma_start3A_347 = arith.constant 0 : i32
      %dma_start3A_348 = tpu.memref_slice %arg6[%dma_start3A_345, %dma_start3A_346, %dma_start3A_347] : memref<8x50x64xf32, #tpu.memory_space<vmem>> -> memref<1x50x64xf32, #tpu.memory_space<vmem>>
      %dma_start3A_349 = tpu.memref_squeeze %dma_start3A_348 : memref<1x50x64xf32, #tpu.memory_space<vmem>> -> memref<50x64xf32, #tpu.memory_space<vmem>>
      %dma_start3A_350 = arith.constant 0 : i32
      %dma_start3A_351 = arith.constant 0 : i32
      %dma_start3A_352 = tpu.memref_slice %arg4[%add3A_344, %dma_start3A_350, %dma_start3A_351] : memref<4096x50x64xf32, #tpu.memory_space<hbm>> -> memref<1x50x64xf32, #tpu.memory_space<hbm>>
      %dma_start3A_353 = tpu.memref_squeeze %dma_start3A_352 : memref<1x50x64xf32, #tpu.memory_space<hbm>> -> memref<50x64xf32, #tpu.memory_space<hbm>>
      %dma_start3A_354 = arith.constant 0 : i32
      %dma_start3A_355 = arith.constant 0 : i32
      %dma_start3A_356 = tpu.memref_slice %arg4[%add3A_344, %dma_start3A_354, %dma_start3A_355] : memref<4096x50x64xf32, #tpu.memory_space<hbm>> -> memref<1x50x64xf32, #tpu.memory_space<hbm>>
      %dma_start3A_357 = tpu.memref_squeeze %dma_start3A_356 : memref<1x50x64xf32, #tpu.memory_space<hbm>> -> memref<50x64xf32, #tpu.memory_space<hbm>>
      %dma_start3A_358 = arith.constant 0 : i32
      %dma_start3A_359 = arith.constant 0 : i32
      %dma_start3A_360 = tpu.memref_slice %arg6[%dma_start3A_345, %dma_start3A_358, %dma_start3A_359] : memref<8x50x64xf32, #tpu.memory_space<vmem>> -> memref<1x50x64xf32, #tpu.memory_space<vmem>>
      %dma_start3A_361 = tpu.memref_squeeze %dma_start3A_360 : memref<1x50x64xf32, #tpu.memory_space<vmem>> -> memref<50x64xf32, #tpu.memory_space<vmem>>
      tpu.enqueue_dma source(%dma_start3A_361 : memref<50x64xf32, #tpu.memory_space<vmem>>) target(%dma_start3A_357 : memref<50x64xf32, #tpu.memory_space<hbm>>) target_semaphore(%arg17 : memref<!tpu.dma_semaphore, #tpu.memory_space<semaphore_mem>>)
      %add3A_362 = arith.constant 8 : i32
      %add3A_363 = arith.addi %add3A_332, %add3A_362 : i32
      %lt3A_364 = arith.constant 128 : i32
      %lt3A_365 = arith.cmpi slt, %add3A_363, %lt3A_364 : i32
      %convert_element_type3A_366 = arith.extui %lt3A_365 : i1 to i32
      %cond3A_367 = arith.constant 0 : i32
      %cond3A_368 = arith.cmpi ne, %convert_element_type3A_366, %cond3A_367 : i32
      scf.if %cond3A_368 {
        %add3A_559 = arith.addi %mul3A_2, %add3A_332 : i32
        %dma_wait3A_560 = arith.constant 2 : i32
        %dma_wait3A_561 = arith.constant 0 : i32
        %dma_wait3A_562 = arith.constant 0 : i32
        %dma_wait3A_563 = tpu.memref_slice %arg6[%dma_wait3A_560, %dma_wait3A_561, %dma_wait3A_562] : memref<8x50x64xf32, #tpu.memory_space<vmem>> -> memref<1x50x64xf32, #tpu.memory_space<vmem>>
        %dma_wait3A_564 = tpu.memref_squeeze %dma_wait3A_563 : memref<1x50x64xf32, #tpu.memory_space<vmem>> -> memref<50x64xf32, #tpu.memory_space<vmem>>
        %dma_wait3A_565 = arith.constant 0 : i32
        %dma_wait3A_566 = arith.constant 0 : i32
        %dma_wait3A_567 = tpu.memref_slice %arg4[%add3A_559, %dma_wait3A_565, %dma_wait3A_566] : memref<4096x50x64xf32, #tpu.memory_space<hbm>> -> memref<1x50x64xf32, #tpu.memory_space<hbm>>
        %dma_wait3A_568 = tpu.memref_squeeze %dma_wait3A_567 : memref<1x50x64xf32, #tpu.memory_space<hbm>> -> memref<50x64xf32, #tpu.memory_space<hbm>>
        %dma_wait3A_569 = arith.constant 0 : i32
        %dma_wait3A_570 = arith.constant 0 : i32
        %dma_wait3A_571 = tpu.memref_slice %arg4[%add3A_559, %dma_wait3A_569, %dma_wait3A_570] : memref<4096x50x64xf32, #tpu.memory_space<hbm>> -> memref<1x50x64xf32, #tpu.memory_space<hbm>>
        %dma_wait3A_572 = tpu.memref_squeeze %dma_wait3A_571 : memref<1x50x64xf32, #tpu.memory_space<hbm>> -> memref<50x64xf32, #tpu.memory_space<hbm>>
        %dma_wait3A_573 = arith.constant 0 : i32
        %dma_wait3A_574 = arith.constant 0 : i32
        %dma_wait3A_575 = tpu.memref_slice %arg6[%dma_wait3A_560, %dma_wait3A_573, %dma_wait3A_574] : memref<8x50x64xf32, #tpu.memory_space<vmem>> -> memref<1x50x64xf32, #tpu.memory_space<vmem>>
        %dma_wait3A_576 = tpu.memref_squeeze %dma_wait3A_575 : memref<1x50x64xf32, #tpu.memory_space<vmem>> -> memref<50x64xf32, #tpu.memory_space<vmem>>
        tpu.wait_dma2 semaphore(%arg17 : memref<!tpu.dma_semaphore, #tpu.memory_space<semaphore_mem>>) src(%dma_wait3A_576 : memref<50x64xf32, #tpu.memory_space<vmem>>) dst(%dma_wait3A_572 : memref<50x64xf32, #tpu.memory_space<hbm>>)
        %dma_start3A_577 = arith.constant 2 : i32
        %dma_start3A_578 = arith.constant 0 : i32
        %dma_start3A_579 = arith.constant 0 : i32
        %dma_start3A_580 = tpu.memref_slice %arg6[%dma_start3A_577, %dma_start3A_578, %dma_start3A_579] : memref<8x50x64xf32, #tpu.memory_space<vmem>> -> memref<1x50x64xf32, #tpu.memory_space<vmem>>
        %dma_start3A_581 = tpu.memref_squeeze %dma_start3A_580 : memref<1x50x64xf32, #tpu.memory_space<vmem>> -> memref<50x64xf32, #tpu.memory_space<vmem>>
        %dma_start3A_582 = arith.constant 0 : i32
        %dma_start3A_583 = tpu.memref_slice %arg5[%add3A_363, %dma_start3A_582] : memref<128x50xi32, #tpu.memory_space<vmem>> -> memref<1x50xi32, #tpu.memory_space<vmem>>
        %dma_start3A_584 = tpu.memref_squeeze %dma_start3A_583 : memref<1x50xi32, #tpu.memory_space<vmem>> -> memref<50xi32, #tpu.memory_space<vmem>>
        %dma_start3A_585 = arith.constant 0 : i32
        %dma_start3A_586 = arith.constant 0 : i32
        %dma_start3A_587 = tpu.memref_slice %arg3[%dma_start3A_585, %dma_start3A_586] : memref<200000x64xf32, #tpu.memory_space<hbm>> -> memref<200000x64xf32, #tpu.memory_space<hbm>>
        tpu.enqueue_indirect_dma source(%dma_start3A_587 : memref<200000x64xf32, #tpu.memory_space<hbm>>) target(%dma_start3A_581 : memref<50x64xf32, #tpu.memory_space<vmem>>) offsets(%dma_start3A_584 : memref<50xi32, #tpu.memory_space<vmem>>) semaphore(%arg9 : memref<!tpu.dma_semaphore, #tpu.memory_space<semaphore_mem>>)
      } else {
      }
      %add3A_369 = arith.constant 3 : i32
      %add3A_370 = arith.addi %add3A_257, %add3A_369 : i32
      %dma_wait3A_371 = arith.constant 3 : i32
      %dma_wait3A_372 = arith.constant 0 : i32
      %dma_wait3A_373 = arith.constant 0 : i32
      %dma_wait3A_374 = tpu.memref_slice %arg6[%dma_wait3A_371, %dma_wait3A_372, %dma_wait3A_373] : memref<8x50x64xf32, #tpu.memory_space<vmem>> -> memref<1x50x64xf32, #tpu.memory_space<vmem>>
      %dma_wait3A_375 = tpu.memref_squeeze %dma_wait3A_374 : memref<1x50x64xf32, #tpu.memory_space<vmem>> -> memref<50x64xf32, #tpu.memory_space<vmem>>
      %dma_wait3A_376 = arith.constant 0 : i32
      %dma_wait3A_377 = tpu.memref_slice %arg5[%add3A_370, %dma_wait3A_376] : memref<128x50xi32, #tpu.memory_space<vmem>> -> memref<1x50xi32, #tpu.memory_space<vmem>>
      %dma_wait3A_378 = tpu.memref_squeeze %dma_wait3A_377 : memref<1x50xi32, #tpu.memory_space<vmem>> -> memref<50xi32, #tpu.memory_space<vmem>>
      %dma_wait3A_379 = arith.constant 0 : i32
      %dma_wait3A_380 = arith.constant 0 : i32
      %dma_wait3A_381 = tpu.memref_slice %arg3[%dma_wait3A_379, %dma_wait3A_380] : memref<200000x64xf32, #tpu.memory_space<hbm>> -> memref<200000x64xf32, #tpu.memory_space<hbm>>
      tpu.wait_indirect_dma semaphore(%arg10 : memref<!tpu.dma_semaphore, #tpu.memory_space<semaphore_mem>>) src(%dma_wait3A_381 : memref<200000x64xf32, #tpu.memory_space<hbm>>) dst(%dma_wait3A_375 : memref<50x64xf32, #tpu.memory_space<vmem>>)
      %add3A_382 = arith.addi %mul3A_2, %add3A_370 : i32
      %dma_start3A_383 = arith.constant 3 : i32
      %dma_start3A_384 = arith.constant 0 : i32
      %dma_start3A_385 = arith.constant 0 : i32
      %dma_start3A_386 = tpu.memref_slice %arg6[%dma_start3A_383, %dma_start3A_384, %dma_start3A_385] : memref<8x50x64xf32, #tpu.memory_space<vmem>> -> memref<1x50x64xf32, #tpu.memory_space<vmem>>
      %dma_start3A_387 = tpu.memref_squeeze %dma_start3A_386 : memref<1x50x64xf32, #tpu.memory_space<vmem>> -> memref<50x64xf32, #tpu.memory_space<vmem>>
      %dma_start3A_388 = arith.constant 0 : i32
      %dma_start3A_389 = arith.constant 0 : i32
      %dma_start3A_390 = tpu.memref_slice %arg4[%add3A_382, %dma_start3A_388, %dma_start3A_389] : memref<4096x50x64xf32, #tpu.memory_space<hbm>> -> memref<1x50x64xf32, #tpu.memory_space<hbm>>
      %dma_start3A_391 = tpu.memref_squeeze %dma_start3A_390 : memref<1x50x64xf32, #tpu.memory_space<hbm>> -> memref<50x64xf32, #tpu.memory_space<hbm>>
      %dma_start3A_392 = arith.constant 0 : i32
      %dma_start3A_393 = arith.constant 0 : i32
      %dma_start3A_394 = tpu.memref_slice %arg4[%add3A_382, %dma_start3A_392, %dma_start3A_393] : memref<4096x50x64xf32, #tpu.memory_space<hbm>> -> memref<1x50x64xf32, #tpu.memory_space<hbm>>
      %dma_start3A_395 = tpu.memref_squeeze %dma_start3A_394 : memref<1x50x64xf32, #tpu.memory_space<hbm>> -> memref<50x64xf32, #tpu.memory_space<hbm>>
      %dma_start3A_396 = arith.constant 0 : i32
      %dma_start3A_397 = arith.constant 0 : i32
      %dma_start3A_398 = tpu.memref_slice %arg6[%dma_start3A_383, %dma_start3A_396, %dma_start3A_397] : memref<8x50x64xf32, #tpu.memory_space<vmem>> -> memref<1x50x64xf32, #tpu.memory_space<vmem>>
      %dma_start3A_399 = tpu.memref_squeeze %dma_start3A_398 : memref<1x50x64xf32, #tpu.memory_space<vmem>> -> memref<50x64xf32, #tpu.memory_space<vmem>>
      tpu.enqueue_dma source(%dma_start3A_399 : memref<50x64xf32, #tpu.memory_space<vmem>>) target(%dma_start3A_395 : memref<50x64xf32, #tpu.memory_space<hbm>>) target_semaphore(%arg18 : memref<!tpu.dma_semaphore, #tpu.memory_space<semaphore_mem>>)
      %add3A_400 = arith.constant 8 : i32
      %add3A_401 = arith.addi %add3A_370, %add3A_400 : i32
      %lt3A_402 = arith.constant 128 : i32
      %lt3A_403 = arith.cmpi slt, %add3A_401, %lt3A_402 : i32
      %convert_element_type3A_404 = arith.extui %lt3A_403 : i1 to i32
      %cond3A_405 = arith.constant 0 : i32
      %cond3A_406 = arith.cmpi ne, %convert_element_type3A_404, %cond3A_405 : i32
      scf.if %cond3A_406 {
        %add3A_559 = arith.addi %mul3A_2, %add3A_370 : i32
        %dma_wait3A_560 = arith.constant 3 : i32
        %dma_wait3A_561 = arith.constant 0 : i32
        %dma_wait3A_562 = arith.constant 0 : i32
        %dma_wait3A_563 = tpu.memref_slice %arg6[%dma_wait3A_560, %dma_wait3A_561, %dma_wait3A_562] : memref<8x50x64xf32, #tpu.memory_space<vmem>> -> memref<1x50x64xf32, #tpu.memory_space<vmem>>
        %dma_wait3A_564 = tpu.memref_squeeze %dma_wait3A_563 : memref<1x50x64xf32, #tpu.memory_space<vmem>> -> memref<50x64xf32, #tpu.memory_space<vmem>>
        %dma_wait3A_565 = arith.constant 0 : i32
        %dma_wait3A_566 = arith.constant 0 : i32
        %dma_wait3A_567 = tpu.memref_slice %arg4[%add3A_559, %dma_wait3A_565, %dma_wait3A_566] : memref<4096x50x64xf32, #tpu.memory_space<hbm>> -> memref<1x50x64xf32, #tpu.memory_space<hbm>>
        %dma_wait3A_568 = tpu.memref_squeeze %dma_wait3A_567 : memref<1x50x64xf32, #tpu.memory_space<hbm>> -> memref<50x64xf32, #tpu.memory_space<hbm>>
        %dma_wait3A_569 = arith.constant 0 : i32
        %dma_wait3A_570 = arith.constant 0 : i32
        %dma_wait3A_571 = tpu.memref_slice %arg4[%add3A_559, %dma_wait3A_569, %dma_wait3A_570] : memref<4096x50x64xf32, #tpu.memory_space<hbm>> -> memref<1x50x64xf32, #tpu.memory_space<hbm>>
        %dma_wait3A_572 = tpu.memref_squeeze %dma_wait3A_571 : memref<1x50x64xf32, #tpu.memory_space<hbm>> -> memref<50x64xf32, #tpu.memory_space<hbm>>
        %dma_wait3A_573 = arith.constant 0 : i32
        %dma_wait3A_574 = arith.constant 0 : i32
        %dma_wait3A_575 = tpu.memref_slice %arg6[%dma_wait3A_560, %dma_wait3A_573, %dma_wait3A_574] : memref<8x50x64xf32, #tpu.memory_space<vmem>> -> memref<1x50x64xf32, #tpu.memory_space<vmem>>
        %dma_wait3A_576 = tpu.memref_squeeze %dma_wait3A_575 : memref<1x50x64xf32, #tpu.memory_space<vmem>> -> memref<50x64xf32, #tpu.memory_space<vmem>>
        tpu.wait_dma2 semaphore(%arg18 : memref<!tpu.dma_semaphore, #tpu.memory_space<semaphore_mem>>) src(%dma_wait3A_576 : memref<50x64xf32, #tpu.memory_space<vmem>>) dst(%dma_wait3A_572 : memref<50x64xf32, #tpu.memory_space<hbm>>)
        %dma_start3A_577 = arith.constant 3 : i32
        %dma_start3A_578 = arith.constant 0 : i32
        %dma_start3A_579 = arith.constant 0 : i32
        %dma_start3A_580 = tpu.memref_slice %arg6[%dma_start3A_577, %dma_start3A_578, %dma_start3A_579] : memref<8x50x64xf32, #tpu.memory_space<vmem>> -> memref<1x50x64xf32, #tpu.memory_space<vmem>>
        %dma_start3A_581 = tpu.memref_squeeze %dma_start3A_580 : memref<1x50x64xf32, #tpu.memory_space<vmem>> -> memref<50x64xf32, #tpu.memory_space<vmem>>
        %dma_start3A_582 = arith.constant 0 : i32
        %dma_start3A_583 = tpu.memref_slice %arg5[%add3A_401, %dma_start3A_582] : memref<128x50xi32, #tpu.memory_space<vmem>> -> memref<1x50xi32, #tpu.memory_space<vmem>>
        %dma_start3A_584 = tpu.memref_squeeze %dma_start3A_583 : memref<1x50xi32, #tpu.memory_space<vmem>> -> memref<50xi32, #tpu.memory_space<vmem>>
        %dma_start3A_585 = arith.constant 0 : i32
        %dma_start3A_586 = arith.constant 0 : i32
        %dma_start3A_587 = tpu.memref_slice %arg3[%dma_start3A_585, %dma_start3A_586] : memref<200000x64xf32, #tpu.memory_space<hbm>> -> memref<200000x64xf32, #tpu.memory_space<hbm>>
        tpu.enqueue_indirect_dma source(%dma_start3A_587 : memref<200000x64xf32, #tpu.memory_space<hbm>>) target(%dma_start3A_581 : memref<50x64xf32, #tpu.memory_space<vmem>>) offsets(%dma_start3A_584 : memref<50xi32, #tpu.memory_space<vmem>>) semaphore(%arg10 : memref<!tpu.dma_semaphore, #tpu.memory_space<semaphore_mem>>)
      } else {
      }
      %add3A_407 = arith.constant 4 : i32
      %add3A_408 = arith.addi %add3A_257, %add3A_407 : i32
      %dma_wait3A_409 = arith.constant 4 : i32
      %dma_wait3A_410 = arith.constant 0 : i32
      %dma_wait3A_411 = arith.constant 0 : i32
      %dma_wait3A_412 = tpu.memref_slice %arg6[%dma_wait3A_409, %dma_wait3A_410, %dma_wait3A_411] : memref<8x50x64xf32, #tpu.memory_space<vmem>> -> memref<1x50x64xf32, #tpu.memory_space<vmem>>
      %dma_wait3A_413 = tpu.memref_squeeze %dma_wait3A_412 : memref<1x50x64xf32, #tpu.memory_space<vmem>> -> memref<50x64xf32, #tpu.memory_space<vmem>>
      %dma_wait3A_414 = arith.constant 0 : i32
      %dma_wait3A_415 = tpu.memref_slice %arg5[%add3A_408, %dma_wait3A_414] : memref<128x50xi32, #tpu.memory_space<vmem>> -> memref<1x50xi32, #tpu.memory_space<vmem>>
      %dma_wait3A_416 = tpu.memref_squeeze %dma_wait3A_415 : memref<1x50xi32, #tpu.memory_space<vmem>> -> memref<50xi32, #tpu.memory_space<vmem>>
      %dma_wait3A_417 = arith.constant 0 : i32
      %dma_wait3A_418 = arith.constant 0 : i32
      %dma_wait3A_419 = tpu.memref_slice %arg3[%dma_wait3A_417, %dma_wait3A_418] : memref<200000x64xf32, #tpu.memory_space<hbm>> -> memref<200000x64xf32, #tpu.memory_space<hbm>>
      tpu.wait_indirect_dma semaphore(%arg11 : memref<!tpu.dma_semaphore, #tpu.memory_space<semaphore_mem>>) src(%dma_wait3A_419 : memref<200000x64xf32, #tpu.memory_space<hbm>>) dst(%dma_wait3A_413 : memref<50x64xf32, #tpu.memory_space<vmem>>)
      %add3A_420 = arith.addi %mul3A_2, %add3A_408 : i32
      %dma_start3A_421 = arith.constant 4 : i32
      %dma_start3A_422 = arith.constant 0 : i32
      %dma_start3A_423 = arith.constant 0 : i32
      %dma_start3A_424 = tpu.memref_slice %arg6[%dma_start3A_421, %dma_start3A_422, %dma_start3A_423] : memref<8x50x64xf32, #tpu.memory_space<vmem>> -> memref<1x50x64xf32, #tpu.memory_space<vmem>>
      %dma_start3A_425 = tpu.memref_squeeze %dma_start3A_424 : memref<1x50x64xf32, #tpu.memory_space<vmem>> -> memref<50x64xf32, #tpu.memory_space<vmem>>
      %dma_start3A_426 = arith.constant 0 : i32
      %dma_start3A_427 = arith.constant 0 : i32
      %dma_start3A_428 = tpu.memref_slice %arg4[%add3A_420, %dma_start3A_426, %dma_start3A_427] : memref<4096x50x64xf32, #tpu.memory_space<hbm>> -> memref<1x50x64xf32, #tpu.memory_space<hbm>>
      %dma_start3A_429 = tpu.memref_squeeze %dma_start3A_428 : memref<1x50x64xf32, #tpu.memory_space<hbm>> -> memref<50x64xf32, #tpu.memory_space<hbm>>
      %dma_start3A_430 = arith.constant 0 : i32
      %dma_start3A_431 = arith.constant 0 : i32
      %dma_start3A_432 = tpu.memref_slice %arg4[%add3A_420, %dma_start3A_430, %dma_start3A_431] : memref<4096x50x64xf32, #tpu.memory_space<hbm>> -> memref<1x50x64xf32, #tpu.memory_space<hbm>>
      %dma_start3A_433 = tpu.memref_squeeze %dma_start3A_432 : memref<1x50x64xf32, #tpu.memory_space<hbm>> -> memref<50x64xf32, #tpu.memory_space<hbm>>
      %dma_start3A_434 = arith.constant 0 : i32
      %dma_start3A_435 = arith.constant 0 : i32
      %dma_start3A_436 = tpu.memref_slice %arg6[%dma_start3A_421, %dma_start3A_434, %dma_start3A_435] : memref<8x50x64xf32, #tpu.memory_space<vmem>> -> memref<1x50x64xf32, #tpu.memory_space<vmem>>
      %dma_start3A_437 = tpu.memref_squeeze %dma_start3A_436 : memref<1x50x64xf32, #tpu.memory_space<vmem>> -> memref<50x64xf32, #tpu.memory_space<vmem>>
      tpu.enqueue_dma source(%dma_start3A_437 : memref<50x64xf32, #tpu.memory_space<vmem>>) target(%dma_start3A_433 : memref<50x64xf32, #tpu.memory_space<hbm>>) target_semaphore(%arg19 : memref<!tpu.dma_semaphore, #tpu.memory_space<semaphore_mem>>)
      %add3A_438 = arith.constant 8 : i32
      %add3A_439 = arith.addi %add3A_408, %add3A_438 : i32
      %lt3A_440 = arith.constant 128 : i32
      %lt3A_441 = arith.cmpi slt, %add3A_439, %lt3A_440 : i32
      %convert_element_type3A_442 = arith.extui %lt3A_441 : i1 to i32
      %cond3A_443 = arith.constant 0 : i32
      %cond3A_444 = arith.cmpi ne, %convert_element_type3A_442, %cond3A_443 : i32
      scf.if %cond3A_444 {
        %add3A_559 = arith.addi %mul3A_2, %add3A_408 : i32
        %dma_wait3A_560 = arith.constant 4 : i32
        %dma_wait3A_561 = arith.constant 0 : i32
        %dma_wait3A_562 = arith.constant 0 : i32
        %dma_wait3A_563 = tpu.memref_slice %arg6[%dma_wait3A_560, %dma_wait3A_561, %dma_wait3A_562] : memref<8x50x64xf32, #tpu.memory_space<vmem>> -> memref<1x50x64xf32, #tpu.memory_space<vmem>>
        %dma_wait3A_564 = tpu.memref_squeeze %dma_wait3A_563 : memref<1x50x64xf32, #tpu.memory_space<vmem>> -> memref<50x64xf32, #tpu.memory_space<vmem>>
        %dma_wait3A_565 = arith.constant 0 : i32
        %dma_wait3A_566 = arith.constant 0 : i32
        %dma_wait3A_567 = tpu.memref_slice %arg4[%add3A_559, %dma_wait3A_565, %dma_wait3A_566] : memref<4096x50x64xf32, #tpu.memory_space<hbm>> -> memref<1x50x64xf32, #tpu.memory_space<hbm>>
        %dma_wait3A_568 = tpu.memref_squeeze %dma_wait3A_567 : memref<1x50x64xf32, #tpu.memory_space<hbm>> -> memref<50x64xf32, #tpu.memory_space<hbm>>
        %dma_wait3A_569 = arith.constant 0 : i32
        %dma_wait3A_570 = arith.constant 0 : i32
        %dma_wait3A_571 = tpu.memref_slice %arg4[%add3A_559, %dma_wait3A_569, %dma_wait3A_570] : memref<4096x50x64xf32, #tpu.memory_space<hbm>> -> memref<1x50x64xf32, #tpu.memory_space<hbm>>
        %dma_wait3A_572 = tpu.memref_squeeze %dma_wait3A_571 : memref<1x50x64xf32, #tpu.memory_space<hbm>> -> memref<50x64xf32, #tpu.memory_space<hbm>>
        %dma_wait3A_573 = arith.constant 0 : i32
        %dma_wait3A_574 = arith.constant 0 : i32
        %dma_wait3A_575 = tpu.memref_slice %arg6[%dma_wait3A_560, %dma_wait3A_573, %dma_wait3A_574] : memref<8x50x64xf32, #tpu.memory_space<vmem>> -> memref<1x50x64xf32, #tpu.memory_space<vmem>>
        %dma_wait3A_576 = tpu.memref_squeeze %dma_wait3A_575 : memref<1x50x64xf32, #tpu.memory_space<vmem>> -> memref<50x64xf32, #tpu.memory_space<vmem>>
        tpu.wait_dma2 semaphore(%arg19 : memref<!tpu.dma_semaphore, #tpu.memory_space<semaphore_mem>>) src(%dma_wait3A_576 : memref<50x64xf32, #tpu.memory_space<vmem>>) dst(%dma_wait3A_572 : memref<50x64xf32, #tpu.memory_space<hbm>>)
        %dma_start3A_577 = arith.constant 4 : i32
        %dma_start3A_578 = arith.constant 0 : i32
        %dma_start3A_579 = arith.constant 0 : i32
        %dma_start3A_580 = tpu.memref_slice %arg6[%dma_start3A_577, %dma_start3A_578, %dma_start3A_579] : memref<8x50x64xf32, #tpu.memory_space<vmem>> -> memref<1x50x64xf32, #tpu.memory_space<vmem>>
        %dma_start3A_581 = tpu.memref_squeeze %dma_start3A_580 : memref<1x50x64xf32, #tpu.memory_space<vmem>> -> memref<50x64xf32, #tpu.memory_space<vmem>>
        %dma_start3A_582 = arith.constant 0 : i32
        %dma_start3A_583 = tpu.memref_slice %arg5[%add3A_439, %dma_start3A_582] : memref<128x50xi32, #tpu.memory_space<vmem>> -> memref<1x50xi32, #tpu.memory_space<vmem>>
        %dma_start3A_584 = tpu.memref_squeeze %dma_start3A_583 : memref<1x50xi32, #tpu.memory_space<vmem>> -> memref<50xi32, #tpu.memory_space<vmem>>
        %dma_start3A_585 = arith.constant 0 : i32
        %dma_start3A_586 = arith.constant 0 : i32
        %dma_start3A_587 = tpu.memref_slice %arg3[%dma_start3A_585, %dma_start3A_586] : memref<200000x64xf32, #tpu.memory_space<hbm>> -> memref<200000x64xf32, #tpu.memory_space<hbm>>
        tpu.enqueue_indirect_dma source(%dma_start3A_587 : memref<200000x64xf32, #tpu.memory_space<hbm>>) target(%dma_start3A_581 : memref<50x64xf32, #tpu.memory_space<vmem>>) offsets(%dma_start3A_584 : memref<50xi32, #tpu.memory_space<vmem>>) semaphore(%arg11 : memref<!tpu.dma_semaphore, #tpu.memory_space<semaphore_mem>>)
      } else {
      }
      %add3A_445 = arith.constant 5 : i32
      %add3A_446 = arith.addi %add3A_257, %add3A_445 : i32
      %dma_wait3A_447 = arith.constant 5 : i32
      %dma_wait3A_448 = arith.constant 0 : i32
      %dma_wait3A_449 = arith.constant 0 : i32
      %dma_wait3A_450 = tpu.memref_slice %arg6[%dma_wait3A_447, %dma_wait3A_448, %dma_wait3A_449] : memref<8x50x64xf32, #tpu.memory_space<vmem>> -> memref<1x50x64xf32, #tpu.memory_space<vmem>>
      %dma_wait3A_451 = tpu.memref_squeeze %dma_wait3A_450 : memref<1x50x64xf32, #tpu.memory_space<vmem>> -> memref<50x64xf32, #tpu.memory_space<vmem>>
      %dma_wait3A_452 = arith.constant 0 : i32
      %dma_wait3A_453 = tpu.memref_slice %arg5[%add3A_446, %dma_wait3A_452] : memref<128x50xi32, #tpu.memory_space<vmem>> -> memref<1x50xi32, #tpu.memory_space<vmem>>
      %dma_wait3A_454 = tpu.memref_squeeze %dma_wait3A_453 : memref<1x50xi32, #tpu.memory_space<vmem>> -> memref<50xi32, #tpu.memory_space<vmem>>
      %dma_wait3A_455 = arith.constant 0 : i32
      %dma_wait3A_456 = arith.constant 0 : i32
      %dma_wait3A_457 = tpu.memref_slice %arg3[%dma_wait3A_455, %dma_wait3A_456] : memref<200000x64xf32, #tpu.memory_space<hbm>> -> memref<200000x64xf32, #tpu.memory_space<hbm>>
      tpu.wait_indirect_dma semaphore(%arg12 : memref<!tpu.dma_semaphore, #tpu.memory_space<semaphore_mem>>) src(%dma_wait3A_457 : memref<200000x64xf32, #tpu.memory_space<hbm>>) dst(%dma_wait3A_451 : memref<50x64xf32, #tpu.memory_space<vmem>>)
      %add3A_458 = arith.addi %mul3A_2, %add3A_446 : i32
      %dma_start3A_459 = arith.constant 5 : i32
      %dma_start3A_460 = arith.constant 0 : i32
      %dma_start3A_461 = arith.constant 0 : i32
      %dma_start3A_462 = tpu.memref_slice %arg6[%dma_start3A_459, %dma_start3A_460, %dma_start3A_461] : memref<8x50x64xf32, #tpu.memory_space<vmem>> -> memref<1x50x64xf32, #tpu.memory_space<vmem>>
      %dma_start3A_463 = tpu.memref_squeeze %dma_start3A_462 : memref<1x50x64xf32, #tpu.memory_space<vmem>> -> memref<50x64xf32, #tpu.memory_space<vmem>>
      %dma_start3A_464 = arith.constant 0 : i32
      %dma_start3A_465 = arith.constant 0 : i32
      %dma_start3A_466 = tpu.memref_slice %arg4[%add3A_458, %dma_start3A_464, %dma_start3A_465] : memref<4096x50x64xf32, #tpu.memory_space<hbm>> -> memref<1x50x64xf32, #tpu.memory_space<hbm>>
      %dma_start3A_467 = tpu.memref_squeeze %dma_start3A_466 : memref<1x50x64xf32, #tpu.memory_space<hbm>> -> memref<50x64xf32, #tpu.memory_space<hbm>>
      %dma_start3A_468 = arith.constant 0 : i32
      %dma_start3A_469 = arith.constant 0 : i32
      %dma_start3A_470 = tpu.memref_slice %arg4[%add3A_458, %dma_start3A_468, %dma_start3A_469] : memref<4096x50x64xf32, #tpu.memory_space<hbm>> -> memref<1x50x64xf32, #tpu.memory_space<hbm>>
      %dma_start3A_471 = tpu.memref_squeeze %dma_start3A_470 : memref<1x50x64xf32, #tpu.memory_space<hbm>> -> memref<50x64xf32, #tpu.memory_space<hbm>>
      %dma_start3A_472 = arith.constant 0 : i32
      %dma_start3A_473 = arith.constant 0 : i32
      %dma_start3A_474 = tpu.memref_slice %arg6[%dma_start3A_459, %dma_start3A_472, %dma_start3A_473] : memref<8x50x64xf32, #tpu.memory_space<vmem>> -> memref<1x50x64xf32, #tpu.memory_space<vmem>>
      %dma_start3A_475 = tpu.memref_squeeze %dma_start3A_474 : memref<1x50x64xf32, #tpu.memory_space<vmem>> -> memref<50x64xf32, #tpu.memory_space<vmem>>
      tpu.enqueue_dma source(%dma_start3A_475 : memref<50x64xf32, #tpu.memory_space<vmem>>) target(%dma_start3A_471 : memref<50x64xf32, #tpu.memory_space<hbm>>) target_semaphore(%arg20 : memref<!tpu.dma_semaphore, #tpu.memory_space<semaphore_mem>>)
      %add3A_476 = arith.constant 8 : i32
      %add3A_477 = arith.addi %add3A_446, %add3A_476 : i32
      %lt3A_478 = arith.constant 128 : i32
      %lt3A_479 = arith.cmpi slt, %add3A_477, %lt3A_478 : i32
      %convert_element_type3A_480 = arith.extui %lt3A_479 : i1 to i32
      %cond3A_481 = arith.constant 0 : i32
      %cond3A_482 = arith.cmpi ne, %convert_element_type3A_480, %cond3A_481 : i32
      scf.if %cond3A_482 {
        %add3A_559 = arith.addi %mul3A_2, %add3A_446 : i32
        %dma_wait3A_560 = arith.constant 5 : i32
        %dma_wait3A_561 = arith.constant 0 : i32
        %dma_wait3A_562 = arith.constant 0 : i32
        %dma_wait3A_563 = tpu.memref_slice %arg6[%dma_wait3A_560, %dma_wait3A_561, %dma_wait3A_562] : memref<8x50x64xf32, #tpu.memory_space<vmem>> -> memref<1x50x64xf32, #tpu.memory_space<vmem>>
        %dma_wait3A_564 = tpu.memref_squeeze %dma_wait3A_563 : memref<1x50x64xf32, #tpu.memory_space<vmem>> -> memref<50x64xf32, #tpu.memory_space<vmem>>
        %dma_wait3A_565 = arith.constant 0 : i32
        %dma_wait3A_566 = arith.constant 0 : i32
        %dma_wait3A_567 = tpu.memref_slice %arg4[%add3A_559, %dma_wait3A_565, %dma_wait3A_566] : memref<4096x50x64xf32, #tpu.memory_space<hbm>> -> memref<1x50x64xf32, #tpu.memory_space<hbm>>
        %dma_wait3A_568 = tpu.memref_squeeze %dma_wait3A_567 : memref<1x50x64xf32, #tpu.memory_space<hbm>> -> memref<50x64xf32, #tpu.memory_space<hbm>>
        %dma_wait3A_569 = arith.constant 0 : i32
        %dma_wait3A_570 = arith.constant 0 : i32
        %dma_wait3A_571 = tpu.memref_slice %arg4[%add3A_559, %dma_wait3A_569, %dma_wait3A_570] : memref<4096x50x64xf32, #tpu.memory_space<hbm>> -> memref<1x50x64xf32, #tpu.memory_space<hbm>>
        %dma_wait3A_572 = tpu.memref_squeeze %dma_wait3A_571 : memref<1x50x64xf32, #tpu.memory_space<hbm>> -> memref<50x64xf32, #tpu.memory_space<hbm>>
        %dma_wait3A_573 = arith.constant 0 : i32
        %dma_wait3A_574 = arith.constant 0 : i32
        %dma_wait3A_575 = tpu.memref_slice %arg6[%dma_wait3A_560, %dma_wait3A_573, %dma_wait3A_574] : memref<8x50x64xf32, #tpu.memory_space<vmem>> -> memref<1x50x64xf32, #tpu.memory_space<vmem>>
        %dma_wait3A_576 = tpu.memref_squeeze %dma_wait3A_575 : memref<1x50x64xf32, #tpu.memory_space<vmem>> -> memref<50x64xf32, #tpu.memory_space<vmem>>
        tpu.wait_dma2 semaphore(%arg20 : memref<!tpu.dma_semaphore, #tpu.memory_space<semaphore_mem>>) src(%dma_wait3A_576 : memref<50x64xf32, #tpu.memory_space<vmem>>) dst(%dma_wait3A_572 : memref<50x64xf32, #tpu.memory_space<hbm>>)
        %dma_start3A_577 = arith.constant 5 : i32
        %dma_start3A_578 = arith.constant 0 : i32
        %dma_start3A_579 = arith.constant 0 : i32
        %dma_start3A_580 = tpu.memref_slice %arg6[%dma_start3A_577, %dma_start3A_578, %dma_start3A_579] : memref<8x50x64xf32, #tpu.memory_space<vmem>> -> memref<1x50x64xf32, #tpu.memory_space<vmem>>
        %dma_start3A_581 = tpu.memref_squeeze %dma_start3A_580 : memref<1x50x64xf32, #tpu.memory_space<vmem>> -> memref<50x64xf32, #tpu.memory_space<vmem>>
        %dma_start3A_582 = arith.constant 0 : i32
        %dma_start3A_583 = tpu.memref_slice %arg5[%add3A_477, %dma_start3A_582] : memref<128x50xi32, #tpu.memory_space<vmem>> -> memref<1x50xi32, #tpu.memory_space<vmem>>
        %dma_start3A_584 = tpu.memref_squeeze %dma_start3A_583 : memref<1x50xi32, #tpu.memory_space<vmem>> -> memref<50xi32, #tpu.memory_space<vmem>>
        %dma_start3A_585 = arith.constant 0 : i32
        %dma_start3A_586 = arith.constant 0 : i32
        %dma_start3A_587 = tpu.memref_slice %arg3[%dma_start3A_585, %dma_start3A_586] : memref<200000x64xf32, #tpu.memory_space<hbm>> -> memref<200000x64xf32, #tpu.memory_space<hbm>>
        tpu.enqueue_indirect_dma source(%dma_start3A_587 : memref<200000x64xf32, #tpu.memory_space<hbm>>) target(%dma_start3A_581 : memref<50x64xf32, #tpu.memory_space<vmem>>) offsets(%dma_start3A_584 : memref<50xi32, #tpu.memory_space<vmem>>) semaphore(%arg12 : memref<!tpu.dma_semaphore, #tpu.memory_space<semaphore_mem>>)
      } else {
      }
      %add3A_483 = arith.constant 6 : i32
      %add3A_484 = arith.addi %add3A_257, %add3A_483 : i32
      %dma_wait3A_485 = arith.constant 6 : i32
      %dma_wait3A_486 = arith.constant 0 : i32
      %dma_wait3A_487 = arith.constant 0 : i32
      %dma_wait3A_488 = tpu.memref_slice %arg6[%dma_wait3A_485, %dma_wait3A_486, %dma_wait3A_487] : memref<8x50x64xf32, #tpu.memory_space<vmem>> -> memref<1x50x64xf32, #tpu.memory_space<vmem>>
      %dma_wait3A_489 = tpu.memref_squeeze %dma_wait3A_488 : memref<1x50x64xf32, #tpu.memory_space<vmem>> -> memref<50x64xf32, #tpu.memory_space<vmem>>
      %dma_wait3A_490 = arith.constant 0 : i32
      %dma_wait3A_491 = tpu.memref_slice %arg5[%add3A_484, %dma_wait3A_490] : memref<128x50xi32, #tpu.memory_space<vmem>> -> memref<1x50xi32, #tpu.memory_space<vmem>>
      %dma_wait3A_492 = tpu.memref_squeeze %dma_wait3A_491 : memref<1x50xi32, #tpu.memory_space<vmem>> -> memref<50xi32, #tpu.memory_space<vmem>>
      %dma_wait3A_493 = arith.constant 0 : i32
      %dma_wait3A_494 = arith.constant 0 : i32
      %dma_wait3A_495 = tpu.memref_slice %arg3[%dma_wait3A_493, %dma_wait3A_494] : memref<200000x64xf32, #tpu.memory_space<hbm>> -> memref<200000x64xf32, #tpu.memory_space<hbm>>
      tpu.wait_indirect_dma semaphore(%arg13 : memref<!tpu.dma_semaphore, #tpu.memory_space<semaphore_mem>>) src(%dma_wait3A_495 : memref<200000x64xf32, #tpu.memory_space<hbm>>) dst(%dma_wait3A_489 : memref<50x64xf32, #tpu.memory_space<vmem>>)
      %add3A_496 = arith.addi %mul3A_2, %add3A_484 : i32
      %dma_start3A_497 = arith.constant 6 : i32
      %dma_start3A_498 = arith.constant 0 : i32
      %dma_start3A_499 = arith.constant 0 : i32
      %dma_start3A_500 = tpu.memref_slice %arg6[%dma_start3A_497, %dma_start3A_498, %dma_start3A_499] : memref<8x50x64xf32, #tpu.memory_space<vmem>> -> memref<1x50x64xf32, #tpu.memory_space<vmem>>
      %dma_start3A_501 = tpu.memref_squeeze %dma_start3A_500 : memref<1x50x64xf32, #tpu.memory_space<vmem>> -> memref<50x64xf32, #tpu.memory_space<vmem>>
      %dma_start3A_502 = arith.constant 0 : i32
      %dma_start3A_503 = arith.constant 0 : i32
      %dma_start3A_504 = tpu.memref_slice %arg4[%add3A_496, %dma_start3A_502, %dma_start3A_503] : memref<4096x50x64xf32, #tpu.memory_space<hbm>> -> memref<1x50x64xf32, #tpu.memory_space<hbm>>
      %dma_start3A_505 = tpu.memref_squeeze %dma_start3A_504 : memref<1x50x64xf32, #tpu.memory_space<hbm>> -> memref<50x64xf32, #tpu.memory_space<hbm>>
      %dma_start3A_506 = arith.constant 0 : i32
      %dma_start3A_507 = arith.constant 0 : i32
      %dma_start3A_508 = tpu.memref_slice %arg4[%add3A_496, %dma_start3A_506, %dma_start3A_507] : memref<4096x50x64xf32, #tpu.memory_space<hbm>> -> memref<1x50x64xf32, #tpu.memory_space<hbm>>
      %dma_start3A_509 = tpu.memref_squeeze %dma_start3A_508 : memref<1x50x64xf32, #tpu.memory_space<hbm>> -> memref<50x64xf32, #tpu.memory_space<hbm>>
      %dma_start3A_510 = arith.constant 0 : i32
      %dma_start3A_511 = arith.constant 0 : i32
      %dma_start3A_512 = tpu.memref_slice %arg6[%dma_start3A_497, %dma_start3A_510, %dma_start3A_511] : memref<8x50x64xf32, #tpu.memory_space<vmem>> -> memref<1x50x64xf32, #tpu.memory_space<vmem>>
      %dma_start3A_513 = tpu.memref_squeeze %dma_start3A_512 : memref<1x50x64xf32, #tpu.memory_space<vmem>> -> memref<50x64xf32, #tpu.memory_space<vmem>>
      tpu.enqueue_dma source(%dma_start3A_513 : memref<50x64xf32, #tpu.memory_space<vmem>>) target(%dma_start3A_509 : memref<50x64xf32, #tpu.memory_space<hbm>>) target_semaphore(%arg21 : memref<!tpu.dma_semaphore, #tpu.memory_space<semaphore_mem>>)
      %add3A_514 = arith.constant 8 : i32
      %add3A_515 = arith.addi %add3A_484, %add3A_514 : i32
      %lt3A_516 = arith.constant 128 : i32
      %lt3A_517 = arith.cmpi slt, %add3A_515, %lt3A_516 : i32
      %convert_element_type3A_518 = arith.extui %lt3A_517 : i1 to i32
      %cond3A_519 = arith.constant 0 : i32
      %cond3A_520 = arith.cmpi ne, %convert_element_type3A_518, %cond3A_519 : i32
      scf.if %cond3A_520 {
        %add3A_559 = arith.addi %mul3A_2, %add3A_484 : i32
        %dma_wait3A_560 = arith.constant 6 : i32
        %dma_wait3A_561 = arith.constant 0 : i32
        %dma_wait3A_562 = arith.constant 0 : i32
        %dma_wait3A_563 = tpu.memref_slice %arg6[%dma_wait3A_560, %dma_wait3A_561, %dma_wait3A_562] : memref<8x50x64xf32, #tpu.memory_space<vmem>> -> memref<1x50x64xf32, #tpu.memory_space<vmem>>
        %dma_wait3A_564 = tpu.memref_squeeze %dma_wait3A_563 : memref<1x50x64xf32, #tpu.memory_space<vmem>> -> memref<50x64xf32, #tpu.memory_space<vmem>>
        %dma_wait3A_565 = arith.constant 0 : i32
        %dma_wait3A_566 = arith.constant 0 : i32
        %dma_wait3A_567 = tpu.memref_slice %arg4[%add3A_559, %dma_wait3A_565, %dma_wait3A_566] : memref<4096x50x64xf32, #tpu.memory_space<hbm>> -> memref<1x50x64xf32, #tpu.memory_space<hbm>>
        %dma_wait3A_568 = tpu.memref_squeeze %dma_wait3A_567 : memref<1x50x64xf32, #tpu.memory_space<hbm>> -> memref<50x64xf32, #tpu.memory_space<hbm>>
        %dma_wait3A_569 = arith.constant 0 : i32
        %dma_wait3A_570 = arith.constant 0 : i32
        %dma_wait3A_571 = tpu.memref_slice %arg4[%add3A_559, %dma_wait3A_569, %dma_wait3A_570] : memref<4096x50x64xf32, #tpu.memory_space<hbm>> -> memref<1x50x64xf32, #tpu.memory_space<hbm>>
        %dma_wait3A_572 = tpu.memref_squeeze %dma_wait3A_571 : memref<1x50x64xf32, #tpu.memory_space<hbm>> -> memref<50x64xf32, #tpu.memory_space<hbm>>
        %dma_wait3A_573 = arith.constant 0 : i32
        %dma_wait3A_574 = arith.constant 0 : i32
        %dma_wait3A_575 = tpu.memref_slice %arg6[%dma_wait3A_560, %dma_wait3A_573, %dma_wait3A_574] : memref<8x50x64xf32, #tpu.memory_space<vmem>> -> memref<1x50x64xf32, #tpu.memory_space<vmem>>
        %dma_wait3A_576 = tpu.memref_squeeze %dma_wait3A_575 : memref<1x50x64xf32, #tpu.memory_space<vmem>> -> memref<50x64xf32, #tpu.memory_space<vmem>>
        tpu.wait_dma2 semaphore(%arg21 : memref<!tpu.dma_semaphore, #tpu.memory_space<semaphore_mem>>) src(%dma_wait3A_576 : memref<50x64xf32, #tpu.memory_space<vmem>>) dst(%dma_wait3A_572 : memref<50x64xf32, #tpu.memory_space<hbm>>)
        %dma_start3A_577 = arith.constant 6 : i32
        %dma_start3A_578 = arith.constant 0 : i32
        %dma_start3A_579 = arith.constant 0 : i32
        %dma_start3A_580 = tpu.memref_slice %arg6[%dma_start3A_577, %dma_start3A_578, %dma_start3A_579] : memref<8x50x64xf32, #tpu.memory_space<vmem>> -> memref<1x50x64xf32, #tpu.memory_space<vmem>>
        %dma_start3A_581 = tpu.memref_squeeze %dma_start3A_580 : memref<1x50x64xf32, #tpu.memory_space<vmem>> -> memref<50x64xf32, #tpu.memory_space<vmem>>
        %dma_start3A_582 = arith.constant 0 : i32
        %dma_start3A_583 = tpu.memref_slice %arg5[%add3A_515, %dma_start3A_582] : memref<128x50xi32, #tpu.memory_space<vmem>> -> memref<1x50xi32, #tpu.memory_space<vmem>>
        %dma_start3A_584 = tpu.memref_squeeze %dma_start3A_583 : memref<1x50xi32, #tpu.memory_space<vmem>> -> memref<50xi32, #tpu.memory_space<vmem>>
        %dma_start3A_585 = arith.constant 0 : i32
        %dma_start3A_586 = arith.constant 0 : i32
        %dma_start3A_587 = tpu.memref_slice %arg3[%dma_start3A_585, %dma_start3A_586] : memref<200000x64xf32, #tpu.memory_space<hbm>> -> memref<200000x64xf32, #tpu.memory_space<hbm>>
        tpu.enqueue_indirect_dma source(%dma_start3A_587 : memref<200000x64xf32, #tpu.memory_space<hbm>>) target(%dma_start3A_581 : memref<50x64xf32, #tpu.memory_space<vmem>>) offsets(%dma_start3A_584 : memref<50xi32, #tpu.memory_space<vmem>>) semaphore(%arg13 : memref<!tpu.dma_semaphore, #tpu.memory_space<semaphore_mem>>)
      } else {
      }
      %add3A_521 = arith.constant 7 : i32
      %add3A_522 = arith.addi %add3A_257, %add3A_521 : i32
      %dma_wait3A_523 = arith.constant 7 : i32
      %dma_wait3A_524 = arith.constant 0 : i32
      %dma_wait3A_525 = arith.constant 0 : i32
      %dma_wait3A_526 = tpu.memref_slice %arg6[%dma_wait3A_523, %dma_wait3A_524, %dma_wait3A_525] : memref<8x50x64xf32, #tpu.memory_space<vmem>> -> memref<1x50x64xf32, #tpu.memory_space<vmem>>
      %dma_wait3A_527 = tpu.memref_squeeze %dma_wait3A_526 : memref<1x50x64xf32, #tpu.memory_space<vmem>> -> memref<50x64xf32, #tpu.memory_space<vmem>>
      %dma_wait3A_528 = arith.constant 0 : i32
      %dma_wait3A_529 = tpu.memref_slice %arg5[%add3A_522, %dma_wait3A_528] : memref<128x50xi32, #tpu.memory_space<vmem>> -> memref<1x50xi32, #tpu.memory_space<vmem>>
      %dma_wait3A_530 = tpu.memref_squeeze %dma_wait3A_529 : memref<1x50xi32, #tpu.memory_space<vmem>> -> memref<50xi32, #tpu.memory_space<vmem>>
      %dma_wait3A_531 = arith.constant 0 : i32
      %dma_wait3A_532 = arith.constant 0 : i32
      %dma_wait3A_533 = tpu.memref_slice %arg3[%dma_wait3A_531, %dma_wait3A_532] : memref<200000x64xf32, #tpu.memory_space<hbm>> -> memref<200000x64xf32, #tpu.memory_space<hbm>>
      tpu.wait_indirect_dma semaphore(%arg14 : memref<!tpu.dma_semaphore, #tpu.memory_space<semaphore_mem>>) src(%dma_wait3A_533 : memref<200000x64xf32, #tpu.memory_space<hbm>>) dst(%dma_wait3A_527 : memref<50x64xf32, #tpu.memory_space<vmem>>)
      %add3A_534 = arith.addi %mul3A_2, %add3A_522 : i32
      %dma_start3A_535 = arith.constant 7 : i32
      %dma_start3A_536 = arith.constant 0 : i32
      %dma_start3A_537 = arith.constant 0 : i32
      %dma_start3A_538 = tpu.memref_slice %arg6[%dma_start3A_535, %dma_start3A_536, %dma_start3A_537] : memref<8x50x64xf32, #tpu.memory_space<vmem>> -> memref<1x50x64xf32, #tpu.memory_space<vmem>>
      %dma_start3A_539 = tpu.memref_squeeze %dma_start3A_538 : memref<1x50x64xf32, #tpu.memory_space<vmem>> -> memref<50x64xf32, #tpu.memory_space<vmem>>
      %dma_start3A_540 = arith.constant 0 : i32
      %dma_start3A_541 = arith.constant 0 : i32
      %dma_start3A_542 = tpu.memref_slice %arg4[%add3A_534, %dma_start3A_540, %dma_start3A_541] : memref<4096x50x64xf32, #tpu.memory_space<hbm>> -> memref<1x50x64xf32, #tpu.memory_space<hbm>>
      %dma_start3A_543 = tpu.memref_squeeze %dma_start3A_542 : memref<1x50x64xf32, #tpu.memory_space<hbm>> -> memref<50x64xf32, #tpu.memory_space<hbm>>
      %dma_start3A_544 = arith.constant 0 : i32
      %dma_start3A_545 = arith.constant 0 : i32
      %dma_start3A_546 = tpu.memref_slice %arg4[%add3A_534, %dma_start3A_544, %dma_start3A_545] : memref<4096x50x64xf32, #tpu.memory_space<hbm>> -> memref<1x50x64xf32, #tpu.memory_space<hbm>>
      %dma_start3A_547 = tpu.memref_squeeze %dma_start3A_546 : memref<1x50x64xf32, #tpu.memory_space<hbm>> -> memref<50x64xf32, #tpu.memory_space<hbm>>
      %dma_start3A_548 = arith.constant 0 : i32
      %dma_start3A_549 = arith.constant 0 : i32
      %dma_start3A_550 = tpu.memref_slice %arg6[%dma_start3A_535, %dma_start3A_548, %dma_start3A_549] : memref<8x50x64xf32, #tpu.memory_space<vmem>> -> memref<1x50x64xf32, #tpu.memory_space<vmem>>
      %dma_start3A_551 = tpu.memref_squeeze %dma_start3A_550 : memref<1x50x64xf32, #tpu.memory_space<vmem>> -> memref<50x64xf32, #tpu.memory_space<vmem>>
      tpu.enqueue_dma source(%dma_start3A_551 : memref<50x64xf32, #tpu.memory_space<vmem>>) target(%dma_start3A_547 : memref<50x64xf32, #tpu.memory_space<hbm>>) target_semaphore(%arg22 : memref<!tpu.dma_semaphore, #tpu.memory_space<semaphore_mem>>)
      %add3A_552 = arith.constant 8 : i32
      %add3A_553 = arith.addi %add3A_522, %add3A_552 : i32
      %lt3A_554 = arith.constant 128 : i32
      %lt3A_555 = arith.cmpi slt, %add3A_553, %lt3A_554 : i32
      %convert_element_type3A_556 = arith.extui %lt3A_555 : i1 to i32
      %cond3A_557 = arith.constant 0 : i32
      %cond3A_558 = arith.cmpi ne, %convert_element_type3A_556, %cond3A_557 : i32
      scf.if %cond3A_558 {
        %add3A_559 = arith.addi %mul3A_2, %add3A_522 : i32
        %dma_wait3A_560 = arith.constant 7 : i32
        %dma_wait3A_561 = arith.constant 0 : i32
        %dma_wait3A_562 = arith.constant 0 : i32
        %dma_wait3A_563 = tpu.memref_slice %arg6[%dma_wait3A_560, %dma_wait3A_561, %dma_wait3A_562] : memref<8x50x64xf32, #tpu.memory_space<vmem>> -> memref<1x50x64xf32, #tpu.memory_space<vmem>>
        %dma_wait3A_564 = tpu.memref_squeeze %dma_wait3A_563 : memref<1x50x64xf32, #tpu.memory_space<vmem>> -> memref<50x64xf32, #tpu.memory_space<vmem>>
        %dma_wait3A_565 = arith.constant 0 : i32
        %dma_wait3A_566 = arith.constant 0 : i32
        %dma_wait3A_567 = tpu.memref_slice %arg4[%add3A_559, %dma_wait3A_565, %dma_wait3A_566] : memref<4096x50x64xf32, #tpu.memory_space<hbm>> -> memref<1x50x64xf32, #tpu.memory_space<hbm>>
        %dma_wait3A_568 = tpu.memref_squeeze %dma_wait3A_567 : memref<1x50x64xf32, #tpu.memory_space<hbm>> -> memref<50x64xf32, #tpu.memory_space<hbm>>
        %dma_wait3A_569 = arith.constant 0 : i32
        %dma_wait3A_570 = arith.constant 0 : i32
        %dma_wait3A_571 = tpu.memref_slice %arg4[%add3A_559, %dma_wait3A_569, %dma_wait3A_570] : memref<4096x50x64xf32, #tpu.memory_space<hbm>> -> memref<1x50x64xf32, #tpu.memory_space<hbm>>
        %dma_wait3A_572 = tpu.memref_squeeze %dma_wait3A_571 : memref<1x50x64xf32, #tpu.memory_space<hbm>> -> memref<50x64xf32, #tpu.memory_space<hbm>>
        %dma_wait3A_573 = arith.constant 0 : i32
        %dma_wait3A_574 = arith.constant 0 : i32
        %dma_wait3A_575 = tpu.memref_slice %arg6[%dma_wait3A_560, %dma_wait3A_573, %dma_wait3A_574] : memref<8x50x64xf32, #tpu.memory_space<vmem>> -> memref<1x50x64xf32, #tpu.memory_space<vmem>>
        %dma_wait3A_576 = tpu.memref_squeeze %dma_wait3A_575 : memref<1x50x64xf32, #tpu.memory_space<vmem>> -> memref<50x64xf32, #tpu.memory_space<vmem>>
        tpu.wait_dma2 semaphore(%arg22 : memref<!tpu.dma_semaphore, #tpu.memory_space<semaphore_mem>>) src(%dma_wait3A_576 : memref<50x64xf32, #tpu.memory_space<vmem>>) dst(%dma_wait3A_572 : memref<50x64xf32, #tpu.memory_space<hbm>>)
        %dma_start3A_577 = arith.constant 7 : i32
        %dma_start3A_578 = arith.constant 0 : i32
        %dma_start3A_579 = arith.constant 0 : i32
        %dma_start3A_580 = tpu.memref_slice %arg6[%dma_start3A_577, %dma_start3A_578, %dma_start3A_579] : memref<8x50x64xf32, #tpu.memory_space<vmem>> -> memref<1x50x64xf32, #tpu.memory_space<vmem>>
        %dma_start3A_581 = tpu.memref_squeeze %dma_start3A_580 : memref<1x50x64xf32, #tpu.memory_space<vmem>> -> memref<50x64xf32, #tpu.memory_space<vmem>>
        %dma_start3A_582 = arith.constant 0 : i32
        %dma_start3A_583 = tpu.memref_slice %arg5[%add3A_553, %dma_start3A_582] : memref<128x50xi32, #tpu.memory_space<vmem>> -> memref<1x50xi32, #tpu.memory_space<vmem>>
        %dma_start3A_584 = tpu.memref_squeeze %dma_start3A_583 : memref<1x50xi32, #tpu.memory_space<vmem>> -> memref<50xi32, #tpu.memory_space<vmem>>
        %dma_start3A_585 = arith.constant 0 : i32
        %dma_start3A_586 = arith.constant 0 : i32
        %dma_start3A_587 = tpu.memref_slice %arg3[%dma_start3A_585, %dma_start3A_586] : memref<200000x64xf32, #tpu.memory_space<hbm>> -> memref<200000x64xf32, #tpu.memory_space<hbm>>
        tpu.enqueue_indirect_dma source(%dma_start3A_587 : memref<200000x64xf32, #tpu.memory_space<hbm>>) target(%dma_start3A_581 : memref<50x64xf32, #tpu.memory_space<vmem>>) offsets(%dma_start3A_584 : memref<50xi32, #tpu.memory_space<vmem>>) semaphore(%arg14 : memref<!tpu.dma_semaphore, #tpu.memory_space<semaphore_mem>>)
      } else {
      }
    }
    %scan3A_101 = arith.constant 16 : i32
    %add3A_102 = arith.constant 120 : i32
    %add3A_103 = arith.addi %mul3A_2, %add3A_102 : i32
    %dma_wait3A = arith.constant 0 : i32
    %dma_wait3A_104 = arith.constant 0 : i32
    %dma_wait3A_105 = arith.constant 0 : i32
    %dma_wait3A_106 = tpu.memref_slice %arg6[%dma_wait3A, %dma_wait3A_104, %dma_wait3A_105] : memref<8x50x64xf32, #tpu.memory_space<vmem>> -> memref<1x50x64xf32, #tpu.memory_space<vmem>>
    %dma_wait3A_107 = tpu.memref_squeeze %dma_wait3A_106 : memref<1x50x64xf32, #tpu.memory_space<vmem>> -> memref<50x64xf32, #tpu.memory_space<vmem>>
    %dma_wait3A_108 = arith.constant 0 : i32
    %dma_wait3A_109 = arith.constant 0 : i32
    %dma_wait3A_110 = tpu.memref_slice %arg4[%add3A_103, %dma_wait3A_108, %dma_wait3A_109] : memref<4096x50x64xf32, #tpu.memory_space<hbm>> -> memref<1x50x64xf32, #tpu.memory_space<hbm>>
    %dma_wait3A_111 = tpu.memref_squeeze %dma_wait3A_110 : memref<1x50x64xf32, #tpu.memory_space<hbm>> -> memref<50x64xf32, #tpu.memory_space<hbm>>
    %dma_wait3A_112 = arith.constant 0 : i32
    %dma_wait3A_113 = arith.constant 0 : i32
    %dma_wait3A_114 = tpu.memref_slice %arg4[%add3A_103, %dma_wait3A_112, %dma_wait3A_113] : memref<4096x50x64xf32, #tpu.memory_space<hbm>> -> memref<1x50x64xf32, #tpu.memory_space<hbm>>
    %dma_wait3A_115 = tpu.memref_squeeze %dma_wait3A_114 : memref<1x50x64xf32, #tpu.memory_space<hbm>> -> memref<50x64xf32, #tpu.memory_space<hbm>>
    %dma_wait3A_116 = arith.constant 0 : i32
    %dma_wait3A_117 = arith.constant 0 : i32
    %dma_wait3A_118 = tpu.memref_slice %arg6[%dma_wait3A, %dma_wait3A_116, %dma_wait3A_117] : memref<8x50x64xf32, #tpu.memory_space<vmem>> -> memref<1x50x64xf32, #tpu.memory_space<vmem>>
    %dma_wait3A_119 = tpu.memref_squeeze %dma_wait3A_118 : memref<1x50x64xf32, #tpu.memory_space<vmem>> -> memref<50x64xf32, #tpu.memory_space<vmem>>
    tpu.wait_dma2 semaphore(%arg15 : memref<!tpu.dma_semaphore, #tpu.memory_space<semaphore_mem>>) src(%dma_wait3A_119 : memref<50x64xf32, #tpu.memory_space<vmem>>) dst(%dma_wait3A_115 : memref<50x64xf32, #tpu.memory_space<hbm>>)
    %add3A_120 = arith.constant 121 : i32
    %add3A_121 = arith.addi %mul3A_2, %add3A_120 : i32
    %dma_wait3A_122 = arith.constant 1 : i32
    %dma_wait3A_123 = arith.constant 0 : i32
    %dma_wait3A_124 = arith.constant 0 : i32
    %dma_wait3A_125 = tpu.memref_slice %arg6[%dma_wait3A_122, %dma_wait3A_123, %dma_wait3A_124] : memref<8x50x64xf32, #tpu.memory_space<vmem>> -> memref<1x50x64xf32, #tpu.memory_space<vmem>>
    %dma_wait3A_126 = tpu.memref_squeeze %dma_wait3A_125 : memref<1x50x64xf32, #tpu.memory_space<vmem>> -> memref<50x64xf32, #tpu.memory_space<vmem>>
    %dma_wait3A_127 = arith.constant 0 : i32
    %dma_wait3A_128 = arith.constant 0 : i32
    %dma_wait3A_129 = tpu.memref_slice %arg4[%add3A_121, %dma_wait3A_127, %dma_wait3A_128] : memref<4096x50x64xf32, #tpu.memory_space<hbm>> -> memref<1x50x64xf32, #tpu.memory_space<hbm>>
    %dma_wait3A_130 = tpu.memref_squeeze %dma_wait3A_129 : memref<1x50x64xf32, #tpu.memory_space<hbm>> -> memref<50x64xf32, #tpu.memory_space<hbm>>
    %dma_wait3A_131 = arith.constant 0 : i32
    %dma_wait3A_132 = arith.constant 0 : i32
    %dma_wait3A_133 = tpu.memref_slice %arg4[%add3A_121, %dma_wait3A_131, %dma_wait3A_132] : memref<4096x50x64xf32, #tpu.memory_space<hbm>> -> memref<1x50x64xf32, #tpu.memory_space<hbm>>
    %dma_wait3A_134 = tpu.memref_squeeze %dma_wait3A_133 : memref<1x50x64xf32, #tpu.memory_space<hbm>> -> memref<50x64xf32, #tpu.memory_space<hbm>>
    %dma_wait3A_135 = arith.constant 0 : i32
    %dma_wait3A_136 = arith.constant 0 : i32
    %dma_wait3A_137 = tpu.memref_slice %arg6[%dma_wait3A_122, %dma_wait3A_135, %dma_wait3A_136] : memref<8x50x64xf32, #tpu.memory_space<vmem>> -> memref<1x50x64xf32, #tpu.memory_space<vmem>>
    %dma_wait3A_138 = tpu.memref_squeeze %dma_wait3A_137 : memref<1x50x64xf32, #tpu.memory_space<vmem>> -> memref<50x64xf32, #tpu.memory_space<vmem>>
    tpu.wait_dma2 semaphore(%arg16 : memref<!tpu.dma_semaphore, #tpu.memory_space<semaphore_mem>>) src(%dma_wait3A_138 : memref<50x64xf32, #tpu.memory_space<vmem>>) dst(%dma_wait3A_134 : memref<50x64xf32, #tpu.memory_space<hbm>>)
    %add3A_139 = arith.constant 122 : i32
    %add3A_140 = arith.addi %mul3A_2, %add3A_139 : i32
    %dma_wait3A_141 = arith.constant 2 : i32
    %dma_wait3A_142 = arith.constant 0 : i32
    %dma_wait3A_143 = arith.constant 0 : i32
    %dma_wait3A_144 = tpu.memref_slice %arg6[%dma_wait3A_141, %dma_wait3A_142, %dma_wait3A_143] : memref<8x50x64xf32, #tpu.memory_space<vmem>> -> memref<1x50x64xf32, #tpu.memory_space<vmem>>
    %dma_wait3A_145 = tpu.memref_squeeze %dma_wait3A_144 : memref<1x50x64xf32, #tpu.memory_space<vmem>> -> memref<50x64xf32, #tpu.memory_space<vmem>>
    %dma_wait3A_146 = arith.constant 0 : i32
    %dma_wait3A_147 = arith.constant 0 : i32
    %dma_wait3A_148 = tpu.memref_slice %arg4[%add3A_140, %dma_wait3A_146, %dma_wait3A_147] : memref<4096x50x64xf32, #tpu.memory_space<hbm>> -> memref<1x50x64xf32, #tpu.memory_space<hbm>>
    %dma_wait3A_149 = tpu.memref_squeeze %dma_wait3A_148 : memref<1x50x64xf32, #tpu.memory_space<hbm>> -> memref<50x64xf32, #tpu.memory_space<hbm>>
    %dma_wait3A_150 = arith.constant 0 : i32
    %dma_wait3A_151 = arith.constant 0 : i32
    %dma_wait3A_152 = tpu.memref_slice %arg4[%add3A_140, %dma_wait3A_150, %dma_wait3A_151] : memref<4096x50x64xf32, #tpu.memory_space<hbm>> -> memref<1x50x64xf32, #tpu.memory_space<hbm>>
    %dma_wait3A_153 = tpu.memref_squeeze %dma_wait3A_152 : memref<1x50x64xf32, #tpu.memory_space<hbm>> -> memref<50x64xf32, #tpu.memory_space<hbm>>
    %dma_wait3A_154 = arith.constant 0 : i32
    %dma_wait3A_155 = arith.constant 0 : i32
    %dma_wait3A_156 = tpu.memref_slice %arg6[%dma_wait3A_141, %dma_wait3A_154, %dma_wait3A_155] : memref<8x50x64xf32, #tpu.memory_space<vmem>> -> memref<1x50x64xf32, #tpu.memory_space<vmem>>
    %dma_wait3A_157 = tpu.memref_squeeze %dma_wait3A_156 : memref<1x50x64xf32, #tpu.memory_space<vmem>> -> memref<50x64xf32, #tpu.memory_space<vmem>>
    tpu.wait_dma2 semaphore(%arg17 : memref<!tpu.dma_semaphore, #tpu.memory_space<semaphore_mem>>) src(%dma_wait3A_157 : memref<50x64xf32, #tpu.memory_space<vmem>>) dst(%dma_wait3A_153 : memref<50x64xf32, #tpu.memory_space<hbm>>)
    %add3A_158 = arith.constant 123 : i32
    %add3A_159 = arith.addi %mul3A_2, %add3A_158 : i32
    %dma_wait3A_160 = arith.constant 3 : i32
    %dma_wait3A_161 = arith.constant 0 : i32
    %dma_wait3A_162 = arith.constant 0 : i32
    %dma_wait3A_163 = tpu.memref_slice %arg6[%dma_wait3A_160, %dma_wait3A_161, %dma_wait3A_162] : memref<8x50x64xf32, #tpu.memory_space<vmem>> -> memref<1x50x64xf32, #tpu.memory_space<vmem>>
    %dma_wait3A_164 = tpu.memref_squeeze %dma_wait3A_163 : memref<1x50x64xf32, #tpu.memory_space<vmem>> -> memref<50x64xf32, #tpu.memory_space<vmem>>
    %dma_wait3A_165 = arith.constant 0 : i32
    %dma_wait3A_166 = arith.constant 0 : i32
    %dma_wait3A_167 = tpu.memref_slice %arg4[%add3A_159, %dma_wait3A_165, %dma_wait3A_166] : memref<4096x50x64xf32, #tpu.memory_space<hbm>> -> memref<1x50x64xf32, #tpu.memory_space<hbm>>
    %dma_wait3A_168 = tpu.memref_squeeze %dma_wait3A_167 : memref<1x50x64xf32, #tpu.memory_space<hbm>> -> memref<50x64xf32, #tpu.memory_space<hbm>>
    %dma_wait3A_169 = arith.constant 0 : i32
    %dma_wait3A_170 = arith.constant 0 : i32
    %dma_wait3A_171 = tpu.memref_slice %arg4[%add3A_159, %dma_wait3A_169, %dma_wait3A_170] : memref<4096x50x64xf32, #tpu.memory_space<hbm>> -> memref<1x50x64xf32, #tpu.memory_space<hbm>>
    %dma_wait3A_172 = tpu.memref_squeeze %dma_wait3A_171 : memref<1x50x64xf32, #tpu.memory_space<hbm>> -> memref<50x64xf32, #tpu.memory_space<hbm>>
    %dma_wait3A_173 = arith.constant 0 : i32
    %dma_wait3A_174 = arith.constant 0 : i32
    %dma_wait3A_175 = tpu.memref_slice %arg6[%dma_wait3A_160, %dma_wait3A_173, %dma_wait3A_174] : memref<8x50x64xf32, #tpu.memory_space<vmem>> -> memref<1x50x64xf32, #tpu.memory_space<vmem>>
    %dma_wait3A_176 = tpu.memref_squeeze %dma_wait3A_175 : memref<1x50x64xf32, #tpu.memory_space<vmem>> -> memref<50x64xf32, #tpu.memory_space<vmem>>
    tpu.wait_dma2 semaphore(%arg18 : memref<!tpu.dma_semaphore, #tpu.memory_space<semaphore_mem>>) src(%dma_wait3A_176 : memref<50x64xf32, #tpu.memory_space<vmem>>) dst(%dma_wait3A_172 : memref<50x64xf32, #tpu.memory_space<hbm>>)
    %add3A_177 = arith.constant 124 : i32
    %add3A_178 = arith.addi %mul3A_2, %add3A_177 : i32
    %dma_wait3A_179 = arith.constant 4 : i32
    %dma_wait3A_180 = arith.constant 0 : i32
    %dma_wait3A_181 = arith.constant 0 : i32
    %dma_wait3A_182 = tpu.memref_slice %arg6[%dma_wait3A_179, %dma_wait3A_180, %dma_wait3A_181] : memref<8x50x64xf32, #tpu.memory_space<vmem>> -> memref<1x50x64xf32, #tpu.memory_space<vmem>>
    %dma_wait3A_183 = tpu.memref_squeeze %dma_wait3A_182 : memref<1x50x64xf32, #tpu.memory_space<vmem>> -> memref<50x64xf32, #tpu.memory_space<vmem>>
    %dma_wait3A_184 = arith.constant 0 : i32
    %dma_wait3A_185 = arith.constant 0 : i32
    %dma_wait3A_186 = tpu.memref_slice %arg4[%add3A_178, %dma_wait3A_184, %dma_wait3A_185] : memref<4096x50x64xf32, #tpu.memory_space<hbm>> -> memref<1x50x64xf32, #tpu.memory_space<hbm>>
    %dma_wait3A_187 = tpu.memref_squeeze %dma_wait3A_186 : memref<1x50x64xf32, #tpu.memory_space<hbm>> -> memref<50x64xf32, #tpu.memory_space<hbm>>
    %dma_wait3A_188 = arith.constant 0 : i32
    %dma_wait3A_189 = arith.constant 0 : i32
    %dma_wait3A_190 = tpu.memref_slice %arg4[%add3A_178, %dma_wait3A_188, %dma_wait3A_189] : memref<4096x50x64xf32, #tpu.memory_space<hbm>> -> memref<1x50x64xf32, #tpu.memory_space<hbm>>
    %dma_wait3A_191 = tpu.memref_squeeze %dma_wait3A_190 : memref<1x50x64xf32, #tpu.memory_space<hbm>> -> memref<50x64xf32, #tpu.memory_space<hbm>>
    %dma_wait3A_192 = arith.constant 0 : i32
    %dma_wait3A_193 = arith.constant 0 : i32
    %dma_wait3A_194 = tpu.memref_slice %arg6[%dma_wait3A_179, %dma_wait3A_192, %dma_wait3A_193] : memref<8x50x64xf32, #tpu.memory_space<vmem>> -> memref<1x50x64xf32, #tpu.memory_space<vmem>>
    %dma_wait3A_195 = tpu.memref_squeeze %dma_wait3A_194 : memref<1x50x64xf32, #tpu.memory_space<vmem>> -> memref<50x64xf32, #tpu.memory_space<vmem>>
    tpu.wait_dma2 semaphore(%arg19 : memref<!tpu.dma_semaphore, #tpu.memory_space<semaphore_mem>>) src(%dma_wait3A_195 : memref<50x64xf32, #tpu.memory_space<vmem>>) dst(%dma_wait3A_191 : memref<50x64xf32, #tpu.memory_space<hbm>>)
    %add3A_196 = arith.constant 125 : i32
    %add3A_197 = arith.addi %mul3A_2, %add3A_196 : i32
    %dma_wait3A_198 = arith.constant 5 : i32
    %dma_wait3A_199 = arith.constant 0 : i32
    %dma_wait3A_200 = arith.constant 0 : i32
    %dma_wait3A_201 = tpu.memref_slice %arg6[%dma_wait3A_198, %dma_wait3A_199, %dma_wait3A_200] : memref<8x50x64xf32, #tpu.memory_space<vmem>> -> memref<1x50x64xf32, #tpu.memory_space<vmem>>
    %dma_wait3A_202 = tpu.memref_squeeze %dma_wait3A_201 : memref<1x50x64xf32, #tpu.memory_space<vmem>> -> memref<50x64xf32, #tpu.memory_space<vmem>>
    %dma_wait3A_203 = arith.constant 0 : i32
    %dma_wait3A_204 = arith.constant 0 : i32
    %dma_wait3A_205 = tpu.memref_slice %arg4[%add3A_197, %dma_wait3A_203, %dma_wait3A_204] : memref<4096x50x64xf32, #tpu.memory_space<hbm>> -> memref<1x50x64xf32, #tpu.memory_space<hbm>>
    %dma_wait3A_206 = tpu.memref_squeeze %dma_wait3A_205 : memref<1x50x64xf32, #tpu.memory_space<hbm>> -> memref<50x64xf32, #tpu.memory_space<hbm>>
    %dma_wait3A_207 = arith.constant 0 : i32
    %dma_wait3A_208 = arith.constant 0 : i32
    %dma_wait3A_209 = tpu.memref_slice %arg4[%add3A_197, %dma_wait3A_207, %dma_wait3A_208] : memref<4096x50x64xf32, #tpu.memory_space<hbm>> -> memref<1x50x64xf32, #tpu.memory_space<hbm>>
    %dma_wait3A_210 = tpu.memref_squeeze %dma_wait3A_209 : memref<1x50x64xf32, #tpu.memory_space<hbm>> -> memref<50x64xf32, #tpu.memory_space<hbm>>
    %dma_wait3A_211 = arith.constant 0 : i32
    %dma_wait3A_212 = arith.constant 0 : i32
    %dma_wait3A_213 = tpu.memref_slice %arg6[%dma_wait3A_198, %dma_wait3A_211, %dma_wait3A_212] : memref<8x50x64xf32, #tpu.memory_space<vmem>> -> memref<1x50x64xf32, #tpu.memory_space<vmem>>
    %dma_wait3A_214 = tpu.memref_squeeze %dma_wait3A_213 : memref<1x50x64xf32, #tpu.memory_space<vmem>> -> memref<50x64xf32, #tpu.memory_space<vmem>>
    tpu.wait_dma2 semaphore(%arg20 : memref<!tpu.dma_semaphore, #tpu.memory_space<semaphore_mem>>) src(%dma_wait3A_214 : memref<50x64xf32, #tpu.memory_space<vmem>>) dst(%dma_wait3A_210 : memref<50x64xf32, #tpu.memory_space<hbm>>)
    %add3A_215 = arith.constant 126 : i32
    %add3A_216 = arith.addi %mul3A_2, %add3A_215 : i32
    %dma_wait3A_217 = arith.constant 6 : i32
    %dma_wait3A_218 = arith.constant 0 : i32
    %dma_wait3A_219 = arith.constant 0 : i32
    %dma_wait3A_220 = tpu.memref_slice %arg6[%dma_wait3A_217, %dma_wait3A_218, %dma_wait3A_219] : memref<8x50x64xf32, #tpu.memory_space<vmem>> -> memref<1x50x64xf32, #tpu.memory_space<vmem>>
    %dma_wait3A_221 = tpu.memref_squeeze %dma_wait3A_220 : memref<1x50x64xf32, #tpu.memory_space<vmem>> -> memref<50x64xf32, #tpu.memory_space<vmem>>
    %dma_wait3A_222 = arith.constant 0 : i32
    %dma_wait3A_223 = arith.constant 0 : i32
    %dma_wait3A_224 = tpu.memref_slice %arg4[%add3A_216, %dma_wait3A_222, %dma_wait3A_223] : memref<4096x50x64xf32, #tpu.memory_space<hbm>> -> memref<1x50x64xf32, #tpu.memory_space<hbm>>
    %dma_wait3A_225 = tpu.memref_squeeze %dma_wait3A_224 : memref<1x50x64xf32, #tpu.memory_space<hbm>> -> memref<50x64xf32, #tpu.memory_space<hbm>>
    %dma_wait3A_226 = arith.constant 0 : i32
    %dma_wait3A_227 = arith.constant 0 : i32
    %dma_wait3A_228 = tpu.memref_slice %arg4[%add3A_216, %dma_wait3A_226, %dma_wait3A_227] : memref<4096x50x64xf32, #tpu.memory_space<hbm>> -> memref<1x50x64xf32, #tpu.memory_space<hbm>>
    %dma_wait3A_229 = tpu.memref_squeeze %dma_wait3A_228 : memref<1x50x64xf32, #tpu.memory_space<hbm>> -> memref<50x64xf32, #tpu.memory_space<hbm>>
    %dma_wait3A_230 = arith.constant 0 : i32
    %dma_wait3A_231 = arith.constant 0 : i32
    %dma_wait3A_232 = tpu.memref_slice %arg6[%dma_wait3A_217, %dma_wait3A_230, %dma_wait3A_231] : memref<8x50x64xf32, #tpu.memory_space<vmem>> -> memref<1x50x64xf32, #tpu.memory_space<vmem>>
    %dma_wait3A_233 = tpu.memref_squeeze %dma_wait3A_232 : memref<1x50x64xf32, #tpu.memory_space<vmem>> -> memref<50x64xf32, #tpu.memory_space<vmem>>
    tpu.wait_dma2 semaphore(%arg21 : memref<!tpu.dma_semaphore, #tpu.memory_space<semaphore_mem>>) src(%dma_wait3A_233 : memref<50x64xf32, #tpu.memory_space<vmem>>) dst(%dma_wait3A_229 : memref<50x64xf32, #tpu.memory_space<hbm>>)
    %add3A_234 = arith.constant 127 : i32
    %add3A_235 = arith.addi %mul3A_2, %add3A_234 : i32
    %dma_wait3A_236 = arith.constant 7 : i32
    %dma_wait3A_237 = arith.constant 0 : i32
    %dma_wait3A_238 = arith.constant 0 : i32
    %dma_wait3A_239 = tpu.memref_slice %arg6[%dma_wait3A_236, %dma_wait3A_237, %dma_wait3A_238] : memref<8x50x64xf32, #tpu.memory_space<vmem>> -> memref<1x50x64xf32, #tpu.memory_space<vmem>>
    %dma_wait3A_240 = tpu.memref_squeeze %dma_wait3A_239 : memref<1x50x64xf32, #tpu.memory_space<vmem>> -> memref<50x64xf32, #tpu.memory_space<vmem>>
    %dma_wait3A_241 = arith.constant 0 : i32
    %dma_wait3A_242 = arith.constant 0 : i32
    %dma_wait3A_243 = tpu.memref_slice %arg4[%add3A_235, %dma_wait3A_241, %dma_wait3A_242] : memref<4096x50x64xf32, #tpu.memory_space<hbm>> -> memref<1x50x64xf32, #tpu.memory_space<hbm>>
    %dma_wait3A_244 = tpu.memref_squeeze %dma_wait3A_243 : memref<1x50x64xf32, #tpu.memory_space<hbm>> -> memref<50x64xf32, #tpu.memory_space<hbm>>
    %dma_wait3A_245 = arith.constant 0 : i32
    %dma_wait3A_246 = arith.constant 0 : i32
    %dma_wait3A_247 = tpu.memref_slice %arg4[%add3A_235, %dma_wait3A_245, %dma_wait3A_246] : memref<4096x50x64xf32, #tpu.memory_space<hbm>> -> memref<1x50x64xf32, #tpu.memory_space<hbm>>
    %dma_wait3A_248 = tpu.memref_squeeze %dma_wait3A_247 : memref<1x50x64xf32, #tpu.memory_space<hbm>> -> memref<50x64xf32, #tpu.memory_space<hbm>>
    %dma_wait3A_249 = arith.constant 0 : i32
    %dma_wait3A_250 = arith.constant 0 : i32
    %dma_wait3A_251 = tpu.memref_slice %arg6[%dma_wait3A_236, %dma_wait3A_249, %dma_wait3A_250] : memref<8x50x64xf32, #tpu.memory_space<vmem>> -> memref<1x50x64xf32, #tpu.memory_space<vmem>>
    %dma_wait3A_252 = tpu.memref_squeeze %dma_wait3A_251 : memref<1x50x64xf32, #tpu.memory_space<vmem>> -> memref<50x64xf32, #tpu.memory_space<vmem>>
    tpu.wait_dma2 semaphore(%arg22 : memref<!tpu.dma_semaphore, #tpu.memory_space<semaphore_mem>>) src(%dma_wait3A_252 : memref<50x64xf32, #tpu.memory_space<vmem>>) dst(%dma_wait3A_248 : memref<50x64xf32, #tpu.memory_space<hbm>>)
    return
  }
}

</mosaic_0001>

<sc_bundles>
// kernel: kernel.3.cloned.1.call-start
scs
__scs_entry_jumppad:
0x0: {  	(pc) =	sbr.rel $0x88, $3  }
0x1: {  	(tag) =	ssettag $0x0;
	lr =	simm.s32 $0x1  }
0x2: {  	[smem:$0x3F9F] =	sst lr;
	_ =	strace $0xD0000000  }
0x3: {  	_ = 	snop  }
0x4: {  	_ = 	snop  }
0x5: {  	_ = 	snop  }
0x6: {  	_ = 	snop  }
0x7: {  	_ = 	snop  }
__scs_overlays_trampoline_lowered:
0x8: {  	[smem:$0x3FAE] =	sst s0  }
0x9: {  	[smem:$0x3FAF] =	sst s1  }
0xa: {  	[smem:$0x3FB0] =	sst s2  }
0xb: {  	[smem:$0x3FB1] =	sst s3  }
0xc: {  	[smem:$0x3FB2] =	sst s4  }
0xd: {  	[smem:$0x3FB3] =	sst s5  }
0xe: {  	[smem:$0x3FB4] =	sst s6  }
0xf: {  	[smem:$0x3FB5] =	sst s7  }
0x10: {  	[smem:$0x3FB6] =	sst s8  }
0x11: {  	[smem:$0x3FB7] =	sst s9;
	s0 =	simm.s32 @!p0 $0x0  }
0x12: {  	s1 =	sld [smem:$0x3F9D];
	s0 =	simm.s32 @p0 $0x1  }
0x13: {  	[smem:$0x3FB8] =	sst s0;
	s0 =	simm.s32 @!p1 $0x0  }
0x14: {  	s2 =	sld [smem:$0x3F9C];
	s0 =	simm.s32 @p1 $0x1  }
0x15: {  	[smem:$0x3FB9] =	sst s0;
	s0 =	simm.s32 @!p2 $0x0  }
0x16: {  	s3 =	sld [smem:$0x3FDB];
	s0 =	simm.s32 @p2 $0x1  }
0x17: {  	s4 =	simm.s32 $0x1BF5;
	[smem:$0x3FBB] =	sst s0  }
0x18: {  	s0 =	sld [smem:$0x3F9E];
	_ =	swait.ge [sflag:s4], $0x0  }
0x19: {  	s7 =	sld [smem:$0x3F9F]  }
0x1a: {  	s8 =	sadd.s32 $0xFFFFE003, lr  }
0x1b: {  	s9 =	sadd.s32 $0xFFFFFEF7, lr;
	s5 =	simm.s32 $0xFFFFFFFF;
	p2 =	slt.u32 s8, $0xFFFFF086  }
0x1c: {  	p1 =	slt.u32 s9, $0xF7A;
	s5 =	simm.s32 @!p2 $0x0  }
0x1d: {  	s5 =	simm.s32 @p1 $0x1;
	p0 =	seq.s32 s7, s2  }
0x1e: {  	s7 =	smul.u32 @!p0 $0xF7A, s2;
	p2 =	seq.s32 @!p0 s5, $0x0  }
0x1f: {  	s9 =	smul.u32 $0xF7A, s1;
	s8 =	simm.s32 @!p0 $0x1BF5;
	p2 =	por !p2, p0  }
0x20: {  	[sflag:s8] =	ssyncset.s32 @!p0 $0xFFFFF086;
	s6 =	sadd.s32 @!p0 s3, s7;
	s7 =	simm.s32 @!p0 $0x108  }
0x21: {  	s3 =	sadd.s32 s3, s9;
	s6 =	sadd.s32 @!p0 $0x88, s6;
	s7 =	simm.s32 @p2 $0x1082  }
0x22: {  	[simem:s7], [sflag:s8] =	dma.local @!p0 [hbm:s6], $0xF7A  }
0x23: {  	s9 =	sor.u32 $0xD0000000, s2;
	s6 =	simm.s32 $0x108;
	_ =	swait.ge @!p0 [sflag:s8], $0x0  }
0x24: {  	s3 =	sadd.s32 $0x88, s3;
	s6 =	simm.s32 @!p1 $0x1082;
	[sflag:s4] =	ssyncset.s32 $0xFFFFF086  }
0x25: {  	[simem:s6], [sflag:s4] =	dma.local [hbm:s3], $0xF7A  }
0x26: {  	[smem:$0x3F9F] =	sst s1;
	(tag) =	ssettag s2;
	_ =	strace s9  }
0x27: {  	s1 =	sld [smem:$0x3FAF]  }
0x28: {  	s2 =	sld [smem:$0x3FB0]  }
0x29: {  	s4 =	sld [smem:$0x3FB2]  }
0x2a: {  	p0 =	seq.s32 s5, $0x0;
	s5 =	sld [smem:$0x3FB3]  }
0x2b: {  	s6 =	sld [smem:$0x3FB4]  }
0x2c: {  	s7 =	sld [smem:$0x3FB5]  }
0x2d: {  	s3 =	simm.s32 $0x108;
	s8 =	sld [smem:$0x3FB6]  }
0x2e: {  	s3 =	simm.s32 @!p0 $0x1082;
	s9 =	sld [smem:$0x3FB7]  }
0x2f: {  	lr =	sadd.s32 s0, s3;
	s0 =	sld [smem:$0x3FAE]  }
0x30: {  	s3 =	sld [smem:$0x3FB1]  }
0x31: {  	[smem:$0x3FBA] =	sst s10  }
0x32: {  	s10 =	sld [smem:$0x3FB8];
	_ =	sdelay $0x3  }
0x33: {  	p0 =	seq.s32 s10, $0x1;
	s10 =	sld [smem:$0x3FBA];
	_ =	sdelay $0x3  }
0x34: {  	[smem:$0x3FBA] =	sst s10  }
0x35: {  	s10 =	sld [smem:$0x3FB9];
	_ =	sdelay $0x3  }
0x36: {  	p1 =	seq.s32 s10, $0x1;
	s10 =	sld [smem:$0x3FBA];
	_ =	sdelay $0x3  }
0x37: {  	[smem:$0x3FBA] =	sst s10  }
0x38: {  	s10 =	sld [smem:$0x3FBB]  }
0x39: {  	_ = 	snop;
	(pc) =	sbr.ind lr, $3  }
0x3a: {  	_ = 	snop  }
0x3b: {  	_ = 	snop  }
0x3c: {  	p2 =	seq.s32 s10, $0x1;
	s10 =	sld [smem:$0x3FBA]  }
0x3d: {  	_ =	shalt  }
0x3e: {  	_ =	shalt  }
0x3f: {  	_ =	shalt  }
0x40: {  	_ =	shalt  }
0x41: {  	_ =	shalt  }
0x42: {  	_ =	shalt  }
0x43: {  	_ =	shalt  }
0x44: {  	_ =	shalt  }
0x45: {  	_ =	shalt  }
0x46: {  	_ =	shalt  }
0x47: {  	_ =	shalt  }
0x48: {  	_ =	shalt  }
0x49: {  	_ =	shalt  }
0x4a: {  	_ =	shalt  }
0x4b: {  	_ =	shalt  }
0x4c: {  	_ =	shalt  }
0x4d: {  	_ =	shalt  }
0x4e: {  	_ =	shalt  }
0x4f: {  	_ =	shalt  }
0x50: {  	_ =	shalt  }
0x51: {  	_ =	shalt  }
0x52: {  	_ =	shalt  }
0x53: {  	_ =	shalt  }
0x54: {  	_ =	shalt  }
0x55: {  	_ =	shalt  }
0x56: {  	_ =	shalt  }
0x57: {  	_ =	shalt  }
0x58: {  	_ =	shalt  }
0x59: {  	_ =	shalt  }
0x5a: {  	_ =	shalt  }
0x5b: {  	_ =	shalt  }
0x5c: {  	_ =	shalt  }
0x5d: {  	_ =	shalt  }
0x5e: {  	_ =	shalt  }
0x5f: {  	_ =	shalt  }
0x60: {  	_ =	shalt  }
0x61: {  	_ =	shalt  }
0x62: {  	_ =	shalt  }
0x63: {  	_ =	shalt  }
0x64: {  	_ =	shalt  }
0x65: {  	_ =	shalt  }
0x66: {  	_ =	shalt  }
0x67: {  	_ =	shalt  }
0x68: {  	_ =	shalt  }
0x69: {  	_ =	shalt  }
0x6a: {  	_ =	shalt  }
0x6b: {  	_ =	shalt  }
0x6c: {  	_ =	shalt  }
0x6d: {  	_ =	shalt  }
0x6e: {  	_ =	shalt  }
0x6f: {  	_ =	shalt  }
0x70: {  	_ =	shalt  }
0x71: {  	_ =	shalt  }
0x72: {  	_ =	shalt  }
0x73: {  	_ =	shalt  }
0x74: {  	_ =	shalt  }
0x75: {  	_ =	shalt  }
0x76: {  	_ =	shalt  }
0x77: {  	_ =	shalt  }
0x78: {  	_ =	shalt  }
0x79: {  	_ =	shalt  }
0x7a: {  	_ =	shalt  }
0x7b: {  	_ =	shalt  }
0x7c: {  	_ =	shalt  }
0x7d: {  	_ =	shalt  }
0x7e: {  	_ =	shalt  }
0x7f: {  	_ =	shalt  }
0x80: {  	_ =	shalt  }
0x81: {  	_ =	shalt  }
0x82: {  	_ =	shalt  }
0x83: {  	_ =	shalt  }
0x84: {  	_ =	shalt  }
0x85: {  	_ =	shalt  }
0x86: {  	_ =	shalt  }
0x87: {  	_ =	shalt  }
.Lfunc_end0:
.L_simem_size_0:
called_computation.1_lowered:
.L_overlay_start_0:
0x88: {  	s2 =	sld [smem:$0x3FD9]  }
0x89: {  	s3 =	sld [smem:$0x3FFE];
	_ =	sdelay $0x1  }
0x8a: {  	s1 =	srdreg.scid  }
0x8b: {  	s0 =	sand.u32 $0x1, s1  }
0x8c: {  	s17 =	sshll.u32 s0, $0xA;
	s2 =	sadd.s32 s3, s2  }
0x8d: {  	s2 =	sadd.s32 s2, s17  }
0x8e: {  	[smem:$0x3FC6] =	sst s2  }
0x8f: {  	_ = 	snop  }
0x90: {  	s2 =	sld [smem:$0x3FD0];
	(tm) =	ssettm $0x1  }
0x91: {  	s18 =	sld [smem:$0x3FFB];
	_ =	sdelay $0x3  }
0x92: {  	_ =	strace s18  }
0x93: {  	s3 =	sld [smem:$0x3FFC];
	_ =	sdelay $0x3  }
0x94: {  	_ =	strace s3  }
0x95: {  	s3 =	sld [smem:$0x3FFD];
	_ =	sdelay $0x3  }
0x96: {  	_ =	strace s3  }
0x97: {  	_ =	strace $0x8FFFFFFF  }
0x98: {  	s19 =	sld [smem:$0x3FDB];
	_ =	sdelay $0x1  }
0x99: {  	s4 =	simm.s32 $_scs_section_size  }
0x9a: {  	s5 =	simm.s32 $_size__tile_overlayer_lowered;
	s6 =	simm.s32 $_tile_overlayer_lowered  }
0x9b: {  	s22 =	simm.s32 $0x1BFF;
	s21 =	sshll.u32 s6, $0x1;
	s3 =	sadd.s32 s4, s19  }
0x9c: {  	s7 =	simm.s32 $0x0;
	s20 =	sshll.u32 s5, $0x1;
	s5 =	sadd.s32 s21, s3  }
0x9d: {  	[timem:s7], [sflag:s22] =	dma.local [hbm:s5], s20  }
0x9e: {  	_ =	swait.ge [sflag:s22], s20  }
0x9f: {  	s4 =	ssub.s32 $0x0, s20;
	[sflag:s22] =	ssyncset.done $0x0  }
0xa0: {  	[sflag:s22] =	ssyncadd.s32 s4;
	_ =	sdelay $0x1  }
0xa1: {  	s23 =	simm.s32 $0x1B8B  }
0xa2: {  	_ =	swait.ge [sflag:s23], $0x1  }
0xa3: {  	[sflag:s23] =	ssyncset.done $0x0  }
0xa4: {  	s25 =	simm.s32 $0x1B8E;
	s24 =	sld [smem:$0x3FFE];
	[sflag:s23] =	ssyncadd.s32 $0xFFFFFFFF  }
0xa5: {  	s26 =	simm.s32 $execute0_lowered;
	[smem:$0x3FD2] =	sst s25  }
0xa6: {  	s5 =	sshll.u32 s26, $0x1;
	_ =	strace $0x80000046;
	[dreg:$0x1] =	wrdreg $0xFFFFFFFF  }
0xa7: {  	s28 =	simm.s32 $_size_execute0_lowered;
	s3 =	sadd.s32 s3, s5;
	[dreg:$0x0] =	wrdreg $0x0  }
0xa8: {  	s5 =	sshll.u32 s28, $0x1;
	[dreg:$0x2] =	wrdreg s3  }
0xa9: {  	[dreg:$0x3] =	wrdreg s5  }
0xaa: {  	[dreg:$0x4] =	wrdreg $0xC0  }
0xab: {  	_ =	task [dreg:s7], $0x5FFFF  }
0xac: {  	[dreg:$0x1] =	wrdreg $0xFFFFFFFF  }
0xad: {  	[dreg:$0x0] =	wrdreg $0x60  }
0xae: {  	[dreg:$0x2] =	wrdreg s24  }
0xaf: {  	[dreg:$0x3] =	wrdreg s2  }
0xb0: {  	[dreg:$0x4] =	wrdreg $0x9  }
0xb1: {  	_ =	task.clear_ibuf [dreg:s7], $0x5FFFF;
	_ =	strace $0x90000046  }
0xb2: {  	s29 =	simm.s32 $0x9;
	_ =	strace $0x80000048  }
0xb3: {  	_ =	swait.ge [sflag:s29], $0x1  }
0xb4: {  	[sflag:s29] =	ssyncadd.s32 $0xFFFFFFFF  }
0xb5: {  	_ =	strace $0x90000048  }
0xb6: {  	_ =	sfence  }
0xb7: {  	s30 =	sld [smem:$0x0];
	_ =	sdelay $0x2  }
0xb8: {  	s31 =	sshll.u32 s1, $0xD;
	s1 =	sshrl.u32 s1, $0x2  }
0xb9: {  	s3 =	sand.u32 $0x4000, s31;
	s1 =	sadd.s32 s1, s30  }
0xba: {  	s0 =	sor.u32 s3, s0;
	s1 =	sshll.u32 s1, $0x11  }
0xbb: {  	s0 =	sor.u32 s1, s0  }
0xbc: {  	s0 =	sadd.s32 $0x8F2B, s0  }
0xbd: {  	[sflag:s0] =	ssyncadd.remote.s32 $0x1  }
0xbe: {  	_ =	sfence.sel $0xFFFF  }
0xbf: {  	[dreg:$0x0] =	wrdreg $0xFFFFFFFF;
	(pc) =	sbr.abs _section_cstart, $3  }
0xc0: {  	[dreg:$0x1] =	wrdreg $0xFFFFFFFF  }
0xc1: {  	_ =	task.clear_ibuf [dreg:s7], $0x2FFFF;
	_ =	strace $0x9FFFFFFF  }
0xc2: {  	(tm) =	ssettm $0x7FFFFFFF  }
0xc3: {  	_ =	shalt  }
tec
execute0_lowered:
.L_overlay_start_1:
0x0: {  	(tag) =	ssettag $0x1  }
0x1: {  	s0 =	srdreg.scid;
	s1 =	rddreg [dreg:$0x0]  }
0x2: {  	s7 =	stileid.u32;
	s4 =	rddreg [dreg:$0x1];
	s2 =	simm.s32 $0x0  }
0x3: {  	s8 =	simm.s32 $0x32;
	s9 =	simm.s32 $0x1C00;
	s11 =	simm.s32 $0x2880  }
0x4: {  	s13 =	simm.s32 $0x3500;
	s15 =	simm.s32 $0x4180;
	s17 =	simm.s32 $0x4E00  }
0x5: {  	s19 =	simm.s32 $0x5A80;
	s21 =	simm.s32 $0x6700;
	s23 =	simm.s32 $0x7380  }
0x6: {  	s24 =	simm.s32 $0x1;
	s28 =	simm.s32 $0x4;
	s29 =	simm.s32 $0x5  }
0x7: {  	s30 =	simm.s32 $0x6;
	s31 =	simm.s32 $0x7;
	s14 =	simm.s32 $0xC  }
0x8: {  	s16 =	simm.s32 $0xD;
	s18 =	simm.s32 $0xE;
	s20 =	simm.s32 $0xF  }
0x9: {  	s22 =	simm.s32 $0x10;
	s0 =	sand.u32 $0x1, s0;
	s3 =	sshll.u32 s7, $0x8  }
0xa: {  	[smem:$0x7FF] =	sst s2;
	s7 =	smul.u32 $0x19000, s7;
	s5 =	sshll.u32 s0, $0x7  }
0xb: {  	s6 =	ssub.s32 $0x2, s0;
	s0 =	smul.u32 $0xC800, s0;
	s3 =	sor.u32 s5, s3  }
0xc: {  	_ =	strace $0x80000047;
	s4 =	sadd.s32 s7, s4;
	s3 =	smul.u32 $0x7, s3  }
.Ltmp0:
0xd: {  	s26 =	sshrl.u32 s6, $0x1;
	s0 =	sadd.s32 s0, s4;
	(pc) =	sbr.rel .LBB2_1-.Ltmp0, $4  }
0xe: {  	s4 =	simm.s32 $0x0;
	[dreg:$0x5] =	wrdreg s0;
	s25 =	sadd.s32 s3, s1  }
0xf: {  	s3 =	sadd.s32 $0x7800, s1;
	s1 =	ssub.s32 s6, s26;
	s5 =	sadd.s32 $0x800, s25  }
0x10: {  	s26 =	simm.s32 $0x3;
	s1 =	smax.u32 s1, $0x1;
	[dreg:$0x3] =	wrdreg s5  }
0x11: {  	s25 =	simm.s32 $0x2;
	[dreg:$0x4] =	wrdreg s1;
	s1 =	simm.s32 $0x8  }
.LBB2_4:
0x12: {  	s0 =	simm.s32 $0x9  }
0x13: {  	_ =	swait.ge [sflag:s0], $0xC80  }
0x14: {  	[sflag:s0] =	ssyncset.done $0x0  }
0x15: {  	s7 =	simm.s32 $0xA;
	[sflag:s0] =	ssyncadd.s32 $0xFFFFF380  }
0x16: {  	_ =	swait.ge [sflag:s7], $0xC80  }
0x17: {  	[sflag:s7] =	ssyncset.done $0x0  }
0x18: {  	s10 =	simm.s32 $0xB;
	[sflag:s7] =	ssyncadd.s32 $0xFFFFF380  }
0x19: {  	_ =	swait.ge [sflag:s10], $0xC80  }
0x1a: {  	[sflag:s10] =	ssyncset.done $0x0  }
0x1b: {  	[sflag:s10] =	ssyncadd.s32 $0xFFFFF380  }
0x1c: {  	_ =	swait.ge [sflag:s14], $0xC80  }
0x1d: {  	[sflag:s14] =	ssyncset.done $0x0  }
0x1e: {  	[sflag:s14] =	ssyncadd.s32 $0xFFFFF380  }
0x1f: {  	_ =	swait.ge [sflag:s16], $0xC80  }
0x20: {  	[sflag:s16] =	ssyncset.done $0x0  }
0x21: {  	[sflag:s16] =	ssyncadd.s32 $0xFFFFF380  }
0x22: {  	_ =	swait.ge [sflag:s18], $0xC80  }
0x23: {  	[sflag:s18] =	ssyncset.done $0x0  }
0x24: {  	[sflag:s18] =	ssyncadd.s32 $0xFFFFF380  }
0x25: {  	_ =	swait.ge [sflag:s20], $0xC80  }
0x26: {  	[sflag:s20] =	ssyncset.done $0x0  }
0x27: {  	[sflag:s20] =	ssyncadd.s32 $0xFFFFF380  }
0x28: {  	_ =	swait.ge [sflag:s22], $0xC80  }
0x29: {  	s4 =	sadd.s32 $0x1, s4;
	s12 =	rddreg [dreg:$0x4]  }
0x2a: {  	p0 =	sne.s32 s4, s12  }
.Ltmp1:
0x2b: {  	_ = 	snop;
	(pc) =	sbr.rel @!p0 .LBB2_5-.Ltmp1, $3  }
0x2c: {  	_ =	sdelay $0x1  }
0x2d: {  	[sflag:s22] =	ssyncset.done $0x0  }
0x2e: {  	[sflag:s22] =	ssyncadd.s32 $0xFFFFF380  }
.LBB2_1:
0x2f: {  	s0 =	rddreg [dreg:$0x3];
	s7 =	simm.s32 $0x11  }
0x30: {  	[tilespmem:s2], [sflag:$0x11] =	stream.linear.gather [hbm4b:s0+s2], $0x1C00, $0x38;
	[tilespmem:$0x8000] =	vst v63  }
0x31: {  	_ =	swait.ge [sflag:s7], $0x1C00  }
0x32: {  	[sflag:s7] =	ssyncset.done $0x0  }
0x33: {  	[sflag:s7] =	ssyncadd.s32 $0xFFFFE400  }
0x34: {  	[tilespmem:s9], [sflag:$0x1] =	stream.indirect.gather [hbm4b:s3+s8], $0x40, s2, s8, $0xb8;
	[tilespmem:$0x8000] =	vst v63  }
0x35: {  	s10 =	simm.s32 $0x38  }
0x36: {  	[tilespmem:s11], [sflag:$0x2] =	stream.indirect.gather [hbm4b:s3+s8], $0x40, s10, s8, $0xb8;
	[tilespmem:$0x8000] =	vst v63  }
0x37: {  	s12 =	simm.s32 $0x70  }
0x38: {  	[tilespmem:s13], [sflag:$0x3] =	stream.indirect.gather [hbm4b:s3+s8], $0x40, s12, s8, $0xb8;
	[tilespmem:$0x8000] =	vst v63  }
0x39: {  	s5 =	simm.s32 $0xA8  }
0x3a: {  	[tilespmem:s15], [sflag:$0x4] =	stream.indirect.gather [hbm4b:s3+s8], $0x40, s5, s8, $0xb8;
	[tilespmem:$0x8000] =	vst v63  }
0x3b: {  	s6 =	simm.s32 $0xE0  }
0x3c: {  	[tilespmem:s17], [sflag:$0x5] =	stream.indirect.gather [hbm4b:s3+s8], $0x40, s6, s8, $0xb8;
	[tilespmem:$0x8000] =	vst v63  }
0x3d: {  	s7 =	simm.s32 $0x118  }
0x3e: {  	[tilespmem:s19], [sflag:$0x6] =	stream.indirect.gather [hbm4b:s3+s8], $0x40, s7, s8, $0xb8;
	[tilespmem:$0x8000] =	vst v63  }
0x3f: {  	s10 =	simm.s32 $0x150  }
0x40: {  	[tilespmem:s21], [sflag:$0x7] =	stream.indirect.gather [hbm4b:s3+s8], $0x40, s10, s8, $0xb8;
	[tilespmem:$0x8000] =	vst v63  }
0x41: {  	s12 =	simm.s32 $0x188;
	s5 =	simm.s32 $0x0;
	s6 =	rddreg [dreg:$0x5]  }
0x42: {  	[tilespmem:s23], [sflag:$0x8] =	stream.indirect.gather [hbm4b:s3+s8], $0x40, s12, s8, $0xb8;
	[tilespmem:$0x8000] =	vst v63  }
.LBB2_2:
0x43: {  	_ =	swait.ge [sflag:s24], $0xC80  }
0x44: {  	p0 =	seq.s32 s5, $0x6900;
	[sflag:s24] =	ssyncset.done $0x0  }
0x45: {  	s0 =	simm.s32 @!p0 $0x9;
	[sflag:s24] =	ssyncadd.s32 $0xFFFFF380  }
0x46: {  	[hbm4b:s6+s2] =	stream.linear.scatter [tilespmem:s9], [sflag:$0x9], $0xC80, $0x38;
	[tilespmem:$0x8000] =	vst v63  }
0x47: {  	_ =	swait.ge @!p0 [sflag:s0], $0xC80  }
0x48: {  	s7 =	sshra.s32 @!p0 s5, $0x2;
	s12 =	simm.s32 @!p0 $0x1C00;
	[sflag:s0] =	ssyncset.done @!p0 $0x0  }
0x49: {  	s10 =	sadd.s32 @!p0 $0x1C0, s7;
	[sflag:s0] =	ssyncadd.s32 @!p0 $0xFFFFF380;
	s0 =	simm.s32 @!p0 $0x32  }
0x4a: {  	[tilespmem:s12], [sflag:$0x1] =	stream.indirect.gather @!p0 [hbm4b:s3+s0], $0x40, s10, s0, $0xb8;
	[tilespmem:$0x8000] =	vst v63  }
0x4b: {  	_ =	swait.ge [sflag:s25], $0xC80  }
0x4c: {  	[sflag:s25] =	ssyncset.done $0x0  }
0x4d: {  	s12 =	sadd.s32 $0x190, s6;
	s10 =	simm.s32 @!p0 $0xA;
	[sflag:s25] =	ssyncadd.s32 $0xFFFFF380  }
0x4e: {  	[hbm4b:s12+s2] =	stream.linear.scatter [tilespmem:s11], [sflag:$0xA], $0xC80, $0x38;
	[tilespmem:$0x8000] =	vst v63  }
0x4f: {  	_ =	swait.ge @!p0 [sflag:s10], $0xC80  }
0x50: {  	[sflag:s10] =	ssyncset.done @!p0 $0x0  }
0x51: {  	s12 =	simm.s32 @!p0 $0x2880;
	[sflag:s10] =	ssyncadd.s32 @!p0 $0xFFFFF380;
	s10 =	sadd.s32 @!p0 $0x1F8, s7  }
0x52: {  	[tilespmem:s12], [sflag:$0x2] =	stream.indirect.gather @!p0 [hbm4b:s3+s0], $0x40, s10, s0, $0xb8;
	[tilespmem:$0x8000] =	vst v63  }
0x53: {  	_ =	swait.ge [sflag:s26], $0xC80  }
0x54: {  	[sflag:s26] =	ssyncset.done $0x0  }
0x55: {  	s12 =	sadd.s32 $0x320, s6;
	s10 =	simm.s32 @!p0 $0xB;
	[sflag:s26] =	ssyncadd.s32 $0xFFFFF380  }
0x56: {  	[hbm4b:s12+s2] =	stream.linear.scatter [tilespmem:s13], [sflag:$0xB], $0xC80, $0x38;
	[tilespmem:$0x8000] =	vst v63  }
0x57: {  	_ =	swait.ge @!p0 [sflag:s10], $0xC80  }
0x58: {  	[sflag:s10] =	ssyncset.done @!p0 $0x0  }
0x59: {  	s12 =	simm.s32 @!p0 $0x3500;
	[sflag:s10] =	ssyncadd.s32 @!p0 $0xFFFFF380;
	s10 =	sadd.s32 @!p0 $0x230, s7  }
0x5a: {  	[tilespmem:s12], [sflag:$0x3] =	stream.indirect.gather @!p0 [hbm4b:s3+s0], $0x40, s10, s0, $0xb8;
	[tilespmem:$0x8000] =	vst v63  }
0x5b: {  	_ =	swait.ge [sflag:s28], $0xC80  }
0x5c: {  	[sflag:s28] =	ssyncset.done $0x0  }
0x5d: {  	s12 =	sadd.s32 $0x4B0, s6;
	s10 =	simm.s32 @!p0 $0xC;
	[sflag:s28] =	ssyncadd.s32 $0xFFFFF380  }
0x5e: {  	[hbm4b:s12+s2] =	stream.linear.scatter [tilespmem:s15], [sflag:$0xC], $0xC80, $0x38;
	[tilespmem:$0x8000] =	vst v63  }
0x5f: {  	_ =	swait.ge @!p0 [sflag:s10], $0xC80  }
0x60: {  	[sflag:s10] =	ssyncset.done @!p0 $0x0  }
0x61: {  	s12 =	simm.s32 @!p0 $0x4180;
	[sflag:s10] =	ssyncadd.s32 @!p0 $0xFFFFF380;
	s10 =	sadd.s32 @!p0 $0x268, s7  }
0x62: {  	[tilespmem:s12], [sflag:$0x4] =	stream.indirect.gather @!p0 [hbm4b:s3+s0], $0x40, s10, s0, $0xb8;
	[tilespmem:$0x8000] =	vst v63  }
0x63: {  	_ =	swait.ge [sflag:s29], $0xC80  }
0x64: {  	[sflag:s29] =	ssyncset.done $0x0  }
0x65: {  	s12 =	sadd.s32 $0x640, s6;
	s10 =	simm.s32 @!p0 $0xD;
	[sflag:s29] =	ssyncadd.s32 $0xFFFFF380  }
0x66: {  	[hbm4b:s12+s2] =	stream.linear.scatter [tilespmem:s17], [sflag:$0xD], $0xC80, $0x38;
	[tilespmem:$0x8000] =	vst v63  }
0x67: {  	_ =	swait.ge @!p0 [sflag:s10], $0xC80  }
0x68: {  	[sflag:s10] =	ssyncset.done @!p0 $0x0  }
0x69: {  	s12 =	simm.s32 @!p0 $0x4E00;
	[sflag:s10] =	ssyncadd.s32 @!p0 $0xFFFFF380;
	s10 =	sadd.s32 @!p0 $0x2A0, s7  }
0x6a: {  	[tilespmem:s12], [sflag:$0x5] =	stream.indirect.gather @!p0 [hbm4b:s3+s0], $0x40, s10, s0, $0xb8;
	[tilespmem:$0x8000] =	vst v63  }
0x6b: {  	_ =	swait.ge [sflag:s30], $0xC80  }
0x6c: {  	[sflag:s30] =	ssyncset.done $0x0  }
0x6d: {  	s12 =	sadd.s32 $0x7D0, s6;
	s10 =	simm.s32 @!p0 $0xE;
	[sflag:s30] =	ssyncadd.s32 $0xFFFFF380  }
0x6e: {  	[hbm4b:s12+s2] =	stream.linear.scatter [tilespmem:s19], [sflag:$0xE], $0xC80, $0x38;
	[tilespmem:$0x8000] =	vst v63  }
0x6f: {  	_ =	swait.ge @!p0 [sflag:s10], $0xC80  }
0x70: {  	[sflag:s10] =	ssyncset.done @!p0 $0x0  }
0x71: {  	s12 =	simm.s32 @!p0 $0x5A80;
	[sflag:s10] =	ssyncadd.s32 @!p0 $0xFFFFF380;
	s10 =	sadd.s32 @!p0 $0x2D8, s7  }
0x72: {  	[tilespmem:s12], [sflag:$0x6] =	stream.indirect.gather @!p0 [hbm4b:s3+s0], $0x40, s10, s0, $0xb8;
	[tilespmem:$0x8000] =	vst v63  }
0x73: {  	_ =	swait.ge [sflag:s31], $0xC80  }
0x74: {  	[sflag:s31] =	ssyncset.done $0x0  }
0x75: {  	s12 =	sadd.s32 $0x960, s6;
	s10 =	simm.s32 @!p0 $0xF;
	[sflag:s31] =	ssyncadd.s32 $0xFFFFF380  }
0x76: {  	[hbm4b:s12+s2] =	stream.linear.scatter [tilespmem:s21], [sflag:$0xF], $0xC80, $0x38;
	[tilespmem:$0x8000] =	vst v63  }
0x77: {  	_ =	swait.ge @!p0 [sflag:s10], $0xC80  }
0x78: {  	[sflag:s10] =	ssyncset.done @!p0 $0x0  }
0x79: {  	s7 =	sadd.s32 @!p0 $0x310, s7;
	[sflag:s10] =	ssyncadd.s32 @!p0 $0xFFFFF380;
	s10 =	simm.s32 @!p0 $0x6700  }
0x7a: {  	[tilespmem:s10], [sflag:$0x7] =	stream.indirect.gather @!p0 [hbm4b:s3+s0], $0x40, s7, s0, $0xb8;
	[tilespmem:$0x8000] =	vst v63  }
.Ltmp2:
0x7b: {  	_ = 	snop;
	(pc) =	sbr.rel @p0 .LBB2_4-.Ltmp2, $4  }
0x7c: {  	_ =	swait.ge [sflag:s1], $0xC80  }
0x7d: {  	[sflag:s1] =	ssyncset.done $0x0  }
0x7e: {  	s12 =	sadd.s32 $0xAF0, s6;
	[sflag:s1] =	ssyncadd.s32 $0xFFFFF380  }
0x7f: {  	[hbm4b:s12+s2] =	stream.linear.scatter [tilespmem:s23], [sflag:$0x10], $0xC80, $0x38;
	[tilespmem:$0x8000] =	vst v63  }
.Ltmp3:
0x80: {  	(pc) =	sbr.rel .LBB2_2-.Ltmp3, $4  }
0x81: {  	_ =	swait.ge [sflag:s22], $0xC80  }
0x82: {  	s0 =	sshra.s32 s5, $0x2;
	s5 =	sadd.s32 $0x700, s5;
	[sflag:s22] =	ssyncset.done $0x0  }
0x83: {  	s6 =	sadd.s32 $0xC80, s6;
	s0 =	sadd.s32 $0x348, s0;
	[sflag:s22] =	ssyncadd.s32 $0xFFFFF380  }
0x84: {  	[tilespmem:s23], [sflag:$0x8] =	stream.indirect.gather [hbm4b:s3+s8], $0x40, s0, s8, $0xb8;
	[tilespmem:$0x8000] =	vst v63  }
.LBB2_5:
0x85: {  	_ =	sfence.sel $0x180000  }
0x86: {  	[bflag:$0x0] =	sbarrier.arrive $0xFFFF  }
0x87: {  	_ =	strace $0x90000047  }
0x88: {  	s0 =	stileid.u32;
	[bflag:$0x2] =	sbarrier.arrive $0xFFFF  }
0x89: {  	p0 =	sne.s32 s0, $0x0;
	s0 =	rddreg [dreg:$0x2]  }
0x8a: {  	s0 =	sadd.s32 @!p0 $0x100000, s0  }
0x8b: {  	[sflag:s0] =	ssyncadd.tile.s32 @!p0 $0x1;
	_ =	shalt  }
.Lfunc_end2:
_tile_overlayer_lowered:
.L_overlay_start_2:
0x8c: {  	(tag) =	ssettag $0x2  }
0x8d: {  	s0 =	rddreg [dreg:$0x0];
	s2 =	stileid.u32  }
0x8e: {  	s1 =	rddreg [dreg:$0x1];
	p0 =	sne.s32 s2, $0x0  }
0x8f: {  	s3 =	rddreg [dreg:$0x2];
	[bflag:$0x3] =	sbarrier.arrive $0xFFFF;
	s2 =	simm.s32 @!p0 $0x1C11  }
0x90: {  	[timem:s3], [sflag:s2] =	dma.local @!p0 [hbm:s0], s1  }
0x91: {  	s0 =	simm.s32 @!p0 $0x11  }
0x92: {  	_ =	swait.ge @!p0 [sflag:s0], s1  }
0x93: {  	s1 =	ssub.s32 @!p0 $0x0, s1;
	[sflag:s0] =	ssyncset.done @!p0 $0x0  }
0x94: {  	[sflag:s0] =	ssyncadd.s32 @!p0 s1  }
0x95: {  	[bflag:$0x3] =	sbarrier.arrive $0xFFFF  }
0x96: {  	_ =	shalt  }

// kernel: sparse-core-data-format-call.cloned.1.call-start
scs
called_computation_lowered:
.L_overlay_start_0:
0x0: {  	s2 =	sld [smem:$0x3FD9]  }
0x1: {  	s3 =	sld [smem:$0x3FFE];
	_ =	sdelay $0x1  }
0x2: {  	s1 =	srdreg.scid  }
0x3: {  	s0 =	sand.u32 $0x1, s1  }
0x4: {  	s18 =	sshll.u32 s0, $0xA;
	s2 =	sadd.s32 s3, s2  }
0x5: {  	s2 =	sadd.s32 s2, s18  }
0x6: {  	[smem:$0x3FC6] =	sst s2  }
0x7: {  	_ = 	snop  }
0x8: {  	s2 =	sld [smem:$0x3FD0];
	(tm) =	ssettm $0x1  }
0x9: {  	s19 =	sld [smem:$0x3FFB];
	_ =	sdelay $0x3  }
0xa: {  	_ =	strace s19  }
0xb: {  	s3 =	sld [smem:$0x3FFC];
	_ =	sdelay $0x3  }
0xc: {  	_ =	strace s3  }
0xd: {  	s3 =	sld [smem:$0x3FFD];
	_ =	sdelay $0x3  }
0xe: {  	_ =	strace s3  }
0xf: {  	_ =	strace $0x8FFFFFFF  }
0x10: {  	s20 =	sld [smem:$0x3FDB];
	_ =	sdelay $0x1  }
0x11: {  	s4 =	simm.s32 $_scs_section_size  }
0x12: {  	s5 =	simm.s32 $_size__tile_overlayer_lowered;
	s6 =	simm.s32 $_tile_overlayer_lowered  }
0x13: {  	s23 =	simm.s32 $0x1BFF;
	s22 =	sshll.u32 s6, $0x1;
	s3 =	sadd.s32 s4, s20  }
0x14: {  	s7 =	simm.s32 $0x0;
	s21 =	sshll.u32 s5, $0x1;
	s5 =	sadd.s32 s22, s3  }
0x15: {  	[timem:s7], [sflag:s23] =	dma.local [hbm:s5], s21  }
0x16: {  	_ =	swait.ge [sflag:s23], s21  }
0x17: {  	s4 =	ssub.s32 $0x0, s21;
	[sflag:s23] =	ssyncset.done $0x0  }
0x18: {  	[sflag:s23] =	ssyncadd.s32 s4;
	_ =	sdelay $0x1  }
0x19: {  	s24 =	simm.s32 $0x1B8B  }
0x1a: {  	_ =	swait.ge [sflag:s24], $0x1  }
0x1b: {  	[sflag:s24] =	ssyncset.done $0x0  }
0x1c: {  	s26 =	simm.s32 $0x1B8E;
	s25 =	sld [smem:$0x3FFE];
	[sflag:s24] =	ssyncadd.s32 $0xFFFFFFFF  }
0x1d: {  	s27 =	simm.s32 $execute0_lowered;
	[smem:$0x3FD2] =	sst s26  }
0x1e: {  	s5 =	sshll.u32 s27, $0x1;
	_ =	strace $0x80000049;
	[dreg:$0x1] =	wrdreg $0xFFFFFFFF  }
0x1f: {  	s28 =	simm.s32 $_size_execute0_lowered;
	s3 =	sadd.s32 s3, s5;
	[dreg:$0x0] =	wrdreg $0x0  }
0x20: {  	s5 =	sshll.u32 s28, $0x1;
	[dreg:$0x2] =	wrdreg s3  }
0x21: {  	[dreg:$0x3] =	wrdreg s5  }
0x22: {  	[dreg:$0x4] =	wrdreg $0xC0  }
0x23: {  	_ =	task [dreg:s7], $0x5FFFF  }
0x24: {  	[dreg:$0x1] =	wrdreg $0xFFFFFFFF  }
0x25: {  	[dreg:$0x0] =	wrdreg $0x60  }
0x26: {  	[dreg:$0x2] =	wrdreg s25  }
0x27: {  	[dreg:$0x3] =	wrdreg s2  }
0x28: {  	[dreg:$0x4] =	wrdreg $0x9  }
0x29: {  	_ =	task.clear_ibuf [dreg:s7], $0x5FFFF;
	_ =	strace $0x90000049  }
0x2a: {  	s29 =	simm.s32 $0x9;
	_ =	strace $0x8000004B  }
0x2b: {  	_ =	swait.ge [sflag:s29], $0x1  }
0x2c: {  	[sflag:s29] =	ssyncadd.s32 $0xFFFFFFFF  }
0x2d: {  	_ =	strace $0x9000004B  }
0x2e: {  	_ =	sfence  }
0x2f: {  	s30 =	sld [smem:$0x0];
	_ =	sdelay $0x2  }
0x30: {  	s31 =	sshll.u32 s1, $0xD;
	s1 =	sshrl.u32 s1, $0x2  }
0x31: {  	s3 =	sand.u32 $0x4000, s31;
	s1 =	sadd.s32 s1, s30  }
0x32: {  	s0 =	sor.u32 s3, s0;
	s1 =	sshll.u32 s1, $0x11  }
0x33: {  	s0 =	sor.u32 s1, s0  }
0x34: {  	s0 =	sadd.s32 $0x8F2B, s0  }
0x35: {  	[sflag:s0] =	ssyncadd.remote.s32 $0x1  }
0x36: {  	_ =	sfence.sel $0xFFFF  }
0x37: {  	[dreg:$0x0] =	wrdreg $0xFFFFFFFF;
	(pc) =	sbr.abs _section_cstart, $3  }
0x38: {  	[dreg:$0x1] =	wrdreg $0xFFFFFFFF  }
0x39: {  	_ =	task.clear_ibuf [dreg:s7], $0x2FFFF;
	_ =	strace $0x9FFFFFFF  }
0x3a: {  	(tm) =	ssettm $0x7FFFFFFF  }
0x3b: {  	_ =	shalt  }
tec
execute0_lowered:
.L_overlay_start_1:
0x0: {  	(tag) =	ssettag $0x1  }
0x1: {  	s0 =	srdreg.scid  }
0x2: {  	s1 =	sshll.u32 s0, $0x4  }
0x3: {  	s0 =	stileid.u32;
	s1 =	sand.u32 $0x10, s1  }
0x4: {  	s1 =	sor.u32 s0, s1  }
0x5: {  	s6 =	rddreg [dreg:$0x0];
	s4 =	simm.s32 $0x1;
	s2 =	sshll.u32 s1, $0x7  }
0x6: {  	s7 =	simm.s32 $0x2;
	s12 =	simm.s32 $0x0;
	s1 =	ssub.s32 $0x1000, s2  }
0x7: {  	s8 =	simm.s32 $0x8000;
	s13 =	simm.s32 $0x0;
	s3 =	sand.u32 $0xF80, s1  }
0x8: {  	s9 =	simm.s32 $0x0;
	s5 =	sshrl.u32 s1, $0xC;
	p0 =	sne.s32 s3, $0x0  }
.Ltmp0:
0x9: {  	s1 =	rddreg [dreg:$0x2];
	s4 =	simm.s32 @!p0 $0x0;
	(pc) =	sbr.rel .LBB1_1-.Ltmp0, $4  }
0xa: {  	s11 =	simm.s32 $0x0;
	s3 =	rddreg [dreg:$0x1];
	s5 =	sadd.s32 s4, s5  }
0xb: {  	_ =	strace $0x8000004A;
	s4 =	simm.s32 $0x1;
	s5 =	smul.u32 $0x32, s5  }
0xc: {  	s6 =	sadd.s32 $0x800, s6;
	s10 =	smov.u32 s2;
	[sflag:s4] =	ssyncpa.u1 $0x0  }
0xd: {  	p0 =	por $0x0, $0x0;
	[sflag:s7] =	ssyncpa.u1 $0x0;
	s7 =	sor.u32 $0x1, s5  }
.LBB1_4:
0xe: {  	s16 =	sshll.u32 s13, $0x3;
	s17 =	sand.u32 $0x78, s13  }
0xf: {  	s30 =	sand.u32 $0x7E00, s13;
	s12 =	sshll.u32 s12, $0xF;
	s16 =	sand.u32 $0xC00, s16  }
0x10: {  	[tilespmem:s15+$0x810 ss:$0x81] =	vst.msk $0xffff, v2;
	s31 =	sand.u32 $0x7, s13;
	s16 =	sor.u32 s17, s16;
	s17 =	sadd.s32 s3, s30  }
0x11: {  	[tilespmem:s15+$0x1020 ss:$0x81] =	vst.msk $0xffff, v0;
	s13 =	sshll.u32 s31, $0x12;
	s12 =	sadd.s32 s12, s17;
	s16 =	sshrl.u32 s16, $0x3  }
0x12: {  	[tilespmem:s15+$0x0 ss:$0x81] =	vst.msk $0xffff, v1;
	s13 =	sor.u32 $0x400, s13;
	s12 =	sadd.s32 s16, s12  }
0x13: {  	[hbm4b:s12+s13] =	stream.strided.scatter [tilespmem:s14], [sflag:$0x2], $0x2000, s8, s13, $0x20;
	[tilespmem:$0x8080] =	vst v63  }
.LBB1_5:
0x14: {  	s14 =	sadd.s32 $0x1, s9  }
0x15: {  	s12 =	sadd.s32 $0x1000, s10;
	s16 =	smov.u32 s10;
	p2 =	sgt.s32 s14, $0x31  }
0x16: {  	s16 =	smov.u32 @p2 s12  }
0x17: {  	s14 =	simm.s32 @p2 $0x0;
	p2 =	sgt.s32 s16, $0xFFF  }
0x18: {  	s16 =	smov.u32 @p2 s2;
	p2 =	sne.s32 s11, s7  }
.Ltmp1:
0x19: {  	p1 =	slt.u32 s11, $0x2;
	(pc) =	sbr.rel @!p2 .LBB1_6-.Ltmp1, $4  }
0x1a: {  	s15 =	simm.s32 @!p1 $0x2  }
0x1b: {  	s13 =	smov.u32 s10;
	p0 =	por !p0, !p0;
	_ =	swait.ge @!p1 [sflag:s15], $0x2000  }
0x1c: {  	s12 =	smov.u32 s9;
	[sflag:s15] =	ssyncset.done @!p1 $0x0;
	s9 =	smov.u32 s14  }
0x1d: {  	s11 =	sadd.s32 $0x1, s11;
	[sflag:s15] =	ssyncadd.s32 @!p1 $0xFFFFE000;
	s10 =	smov.u32 s16  }
.LBB1_1:
0x1e: {  	p1 =	sge.u32 s11, s5  }
0x1f: {  	s14 =	sand.u32 @!p1 $0x1FFFFFF, s9  }
0x20: {  	s15 =	smulhi.u32 @!p1 $0x4924925, s14;
	_ =	sdelay $0x1  }
0x21: {  	s15 =	smul.u32 @!p1 $0x38, s15  }
0x22: {  	s16 =	sxor.u32 @!p1 $0xFFFFFFFF, s11;
	s17 =	smul.u32 @!p1 $0x380, s10  }
0x23: {  	s31 =	sadd.s32 $0xFFFFFFFF, s11;
	s16 =	sshll.u32 @!p1 s16, $0xD;
	s14 =	ssub.s32 @!p1 s14, s15  }
0x24: {  	s15 =	sand.u32 @!p1 $0x2000, s16;
	s16 =	sadd.s32 @!p1 s6, s17;
	s14 =	sshll.u32 @!p1 s14, $0x4  }
0x25: {  	s17 =	simm.s32 @!p1 $0x1C00;
	s14 =	sadd.s32 @!p1 s14, s16;
	s16 =	simm.s32 @!p1 $0x40  }
0x26: {  	[tilespmem:s15], [sflag:$0x1] =	stream.strided.gather @!p1 [hbm4b:s14+s16], $0x2000, s17, s16, $0x38;
	[tilespmem:$0x8080] =	vst v63  }
0x27: {  	p1 =	sge.u32 s31, s5  }
.Ltmp2:
0x28: {  	_ = 	snop;
	(pc) =	sbr.rel @p1 .LBB1_5-.Ltmp2, $1  }
0x29: {  	_ =	sdelay $0x3  }
0x2a: {  	s14 =	simm.s32 $0x1  }
0x2b: {  	_ =	swait.ge [sflag:s4], $0x2000;
	s14 =	simm.s32 @!p0 $0x0  }
0x2c: {  	[sflag:s4] =	ssyncset.done $0x0;
	s15 =	sshll.u32 s14, $0xD  }
0x2d: {  	[sflag:s4] =	ssyncadd.s32 $0xFFFFE000;
	s18 =	sor.u32 $0x20, s15  }
0x2e: {  	s14 =	smul.u32 $0x8100, s14;
	v3 =	vld [tilespmem:s18+$0x10]  }
0x2f: {  	s30 =	sand.u32 $0x1, s11;
	v2 =	vld [tilespmem:s18+$0xFFFFFFF0]  }
0x30: {  	s15 =	smul.u32 $0x8100, s30;
	s14 =	sshrl.u32 s14, $0x2;
	v0 =	vld [tilespmem:s18+$0x0]  }
0x31: {  	v1 =	vld [tilespmem:s18+$0xFFFFFFE0];
	s16 =	sor.u32 $0x4000, s14  }
0x32: {  	s31 =	sshrl.u32 s15, $0x2;
	s15 =	sadd.s32 $0x0, s16  }
0x33: {  	s17 =	simm.s32 $0x4;
	s18 =	sadd.s32 $0x40, s18;
	s14 =	sor.u32 $0x4000, s31;
	[tilespmem:s15+$0x1830 ss:$0x81] =	vst.msk $0xffff, v3  }
.LBB1_3:
0x34: {  	v3 =	vld [tilespmem:s18+$0x10];
	p1 =	sne.s32 s17, $0x1FC;
	[tilespmem:s15+$0x810 ss:$0x81] =	vst.msk $0xffff, v2;
	s19 =	smov.u32 s17;
	s17 =	sadd.s32 $0x4, s17  }
.Ltmp3:
0x35: {  	v2 =	vld [tilespmem:s18+$0xFFFFFFF0];
	[tilespmem:s15+$0x1020 ss:$0x81] =	vst.msk $0xffff, v0;
	(pc) =	sbr.rel @p1 .LBB1_3-.Ltmp3, $4  }
0x36: {  	v0 =	vld [tilespmem:s18+$0x0];
	[tilespmem:s15+$0x0 ss:$0x81] =	vst.msk $0xffff, v1  }
0x37: {  	s15 =	sshra.s32 s19, $0x2;
	v1 =	vld [tilespmem:s18+$0xFFFFFFE0]  }
0x38: {  	s15 =	sadd.s32 s15, s16  }
0x39: {  	s18 =	sadd.s32 $0x40, s18;
	[tilespmem:s15+$0x1830 ss:$0x81] =	vst.msk $0xffff, v3  }
.Ltmp4:
0x3a: {  	_ = 	snop;
	(pc) =	sbr.rel .LBB1_4-.Ltmp4, $1  }
0x3b: {  	_ =	sdelay $0x3  }
.LBB1_6:
0x3c: {  	_ =	sfence.sel $0x180000  }
0x3d: {  	s2 =	simm.s32 $0x1;
	[bflag:$0x0] =	sbarrier.arrive $0xFFFF  }
0x3e: {  	s31 =	simm.s32 $0x2;
	[sflag:s2] =	ssyncpa.u1 $0x1  }
0x3f: {  	[sflag:s31] =	ssyncpa.u1 $0x1  }
0x40: {  	p0 =	sne.s32 s0, $0x0;
	_ =	strace $0x9000004A  }
0x41: {  	s0 =	sadd.s32 @!p0 $0x100000, s1;
	[bflag:$0x2] =	sbarrier.arrive $0xFFFF  }
0x42: {  	[sflag:s0] =	ssyncadd.tile.s32 @!p0 $0x1;
	_ =	shalt  }
.Lfunc_end1:
_tile_overlayer_lowered:
.L_overlay_start_2:
0x43: {  	(tag) =	ssettag $0x2  }
0x44: {  	s0 =	rddreg [dreg:$0x0];
	s2 =	stileid.u32  }
0x45: {  	s1 =	rddreg [dreg:$0x1];
	p0 =	sne.s32 s2, $0x0  }
0x46: {  	s3 =	rddreg [dreg:$0x2];
	[bflag:$0x3] =	sbarrier.arrive $0xFFFF;
	s2 =	simm.s32 @!p0 $0x1C01  }
0x47: {  	[timem:s3], [sflag:s2] =	dma.local @!p0 [hbm:s0], s1  }
0x48: {  	s0 =	simm.s32 @!p0 $0x1  }
0x49: {  	_ =	swait.ge @!p0 [sflag:s0], s1  }
0x4a: {  	s1 =	ssub.s32 @!p0 $0x0, s1;
	[sflag:s0] =	ssyncset.done @!p0 $0x0  }
0x4b: {  	[sflag:s0] =	ssyncadd.s32 @!p0 s1  }
0x4c: {  	[bflag:$0x3] =	sbarrier.arrive $0xFFFF  }
0x4d: {  	_ =	shalt  }

</sc_bundles>
